<compile_context>
chip_gen: v7x
topology: tpu7x:2x2x1
jax: 0.10.2.dev20260603
libtpu: 0.0.44.dev20260713+nightly
codegen_flags: <defaults>
</compile_context>

<pallas_src>
import functools

import jax
import jax.numpy as jnp
from jax import lax
from jax.experimental import pallas as pl
from jax.experimental.pallas import tpu as pltpu
from jax.experimental.pallas import tpu_sc as plsc

NC = 2
NS = 16
K = 80


@functools.lru_cache(maxsize=None)
def _build_scatter(N, E, D):
    NW = NC * NS
    EPW = E // NW
    CH = EPW // K
    NP = ((N + NS * K - 1) // (NS * K)) * (NS * K)
    RPT = NP // NS
    assert EPW * NW == E and CH * K == EPW and RPT % K == 0 and CH % 4 == 1

    mesh = plsc.VectorSubcoreMesh(core_axis_name="c", subcore_axis_name="s")

    @functools.partial(
        pl.kernel,
        mesh=mesh,
        out_type=jax.ShapeDtypeStruct((NC, NP, D), jnp.float32),
        scratch_types=(
            [pltpu.VMEM((K,), jnp.int32)] * 4
            + [pltpu.VMEM((K,), jnp.int32)] * 4
            + [pltpu.VMEM((K, D), jnp.float32)] * 4
            + [
                pltpu.VMEM_SHARED((NP, D), jnp.float32),
                pltpu.SemaphoreType.DMA,
                pltpu.SemaphoreType.DMA,
                pltpu.SemaphoreType.DMA,
                pltpu.SemaphoreType.DMA,
            ]
        ),
    )
    def scatter_kernel(feat_hbm, edge_hbm, out_hbm,
                       si0, si1, si2, si3, di0, di1, di2, di3,
                       r0, r1, r2, r3, hpart, gsem, s_isem, d_isem, ssem):
        sidx = [si0, si1, si2, si3]
        didx = [di0, di1, di2, di3]
        rows = [r0, r1, r2, r3]
        cid = lax.axis_index("c")
        sid = lax.axis_index("s")
        wid = sid * NC + cid
        base0 = wid * EPW

        def sidx_load(c, b):
            pltpu.async_copy(edge_hbm.at[pl.ds(base0 + c * K, K)],
                             sidx[b], s_isem)

        def didx_load(c, b):
            pltpu.async_copy(edge_hbm.at[pl.ds(E + base0 + c * K, K)],
                             didx[b], d_isem)

        def sidx_drain(b):
            pltpu.make_async_copy(edge_hbm.at[pl.ds(0, K)], sidx[b],
                                  s_isem).wait()

        def didx_drain(b):
            pltpu.make_async_copy(edge_hbm.at[pl.ds(0, K)], didx[b],
                                  d_isem).wait()

        def gather(b, rb):
            pltpu.async_copy(feat_hbm.at[sidx[b]], rows[rb], gsem)

        def gdrain(rb):
            pltpu.make_async_copy(feat_hbm.at[pl.ds(0, K)], rows[rb],
                                  gsem).wait()

        def sdrain():
            pltpu.make_async_copy(r0, hpart.at[pl.ds(0, K)], ssem).wait()

        for b in range(3):
            pltpu.sync_copy(edge_hbm.at[pl.ds(base0 + b * K, K)], sidx[b])
            gather(b, b)
        sidx_load(3, 3)
        didx_load(0, 0)
        didx_load(1, 1)

        def zrow(r, carry):
            for cc in range(D // 16):
                r3[r, pl.ds(cc * 16, 16)] = jnp.zeros((16,), jnp.float32)
            return carry
        lax.fori_loop(0, K, zrow, 0)
        for qz in range(RPT // K):
            pltpu.sync_copy(r3, hpart.at[pl.ds(sid * RPT + qz * K, K)])
        plsc.subcore_barrier()

        def chunk_body(q, b, first):
            gdrain(b)
            didx_drain(b)
            if first:
                pl.when(q >= 1)(sdrain)
            else:
                sdrain()
            pltpu.async_copy(rows[b], hpart.at[didx[b]], ssem, add=True)
            sidx_load(jnp.minimum(q + 4, CH - 1), b)
            didx_load(jnp.minimum(q + 2, CH - 1), (b + 2) % 4)
            sidx_drain((b + 3) % 4)
            gather((b + 3) % 4, (b + 3) % 4)

        def group(p, carry):
            q0 = 4 * p
            for b in range(4):
                chunk_body(q0 + b, b, b == 0)
            return carry
        lax.fori_loop(0, CH // 4, group, 0)

        gdrain(0)
        didx_drain(0)
        sdrain()
        pltpu.sync_copy(r0, hpart.at[di0], add=True)
        gdrain(1)
        gdrain(2)
        sidx_drain(3)
        didx_drain(1)

        plsc.subcore_barrier()
        pltpu.sync_copy(hpart.at[pl.ds(sid * RPT, RPT)],
                        out_hbm.at[cid, pl.ds(sid * RPT, RPT)])

    return scatter_kernel


def _linear_body(p_ref, w_ref, b_ref, o_ref):
    x = p_ref[0] + p_ref[1]
    o_ref[...] = (
        lax.dot_general(x, w_ref[...], (((1,), (1,)), ((), ())),
                        preferred_element_type=jnp.float32)
        + b_ref[...]
    )


@functools.lru_cache(maxsize=None)
def _build_linear(N, NP, D, BM):
    grid = (N // BM,)
    return pl.pallas_call(
        _linear_body,
        grid=grid,
        in_specs=[
            pl.BlockSpec((NC, BM, D), lambda i: (0, i, 0)),
            pl.BlockSpec((D, D), lambda i: (0, 0)),
            pl.BlockSpec((1, D), lambda i: (0, 0)),
        ],
        out_specs=pl.BlockSpec((BM, D), lambda i: (i, 0)),
        out_shape=jax.ShapeDtypeStruct((N, D), jnp.float32),
    )


def kernel(feature, edge_index, W, b):
    N, D = feature.shape
    E = edge_index.shape[1]
    eflat = edge_index.reshape(2 * E)
    partials = _build_scatter(N, E, D)(feature, eflat)
    out = _build_linear(N, partials.shape[1], D, 10000)(
        partials, W, b.reshape(1, D).astype(jnp.float32))
    return out

# --- scband reference (transcript-rebuilt; emitter-appended) ---
"""Pipeline reference for scband-gcnlayer-2929167695897 (READ-ONLY COPY).

The authoritative reference and input builder live on the scoring server;
editing this copy changes nothing except your own understanding.
"""

import jax, jax.numpy as jnp
import numpy as np

N = 10000
E = 320000
D = 128

def setup_inputs(seed: int = 0) -> dict:
    key = jax.random.key(seed)
    k1, k2, k3, k4 = jax.random.split(key, 4)
    feature = jax.random.normal(k1, (N, D), dtype=jnp.float32)
    edge_index = jax.random.randint(k2, (2, E), 0, N, dtype=jnp.int32)
    # Linear layer parameters (nn.Linear(in_feats=128, out_feats=128))
    W = (jax.random.normal(k3, (D, D), dtype=jnp.float32) * (1.0 / np.sqrt(D))).astype(jnp.float32)
    b = jnp.zeros((D,), dtype=jnp.float32)
    return {"feature": feature, "edge_index": edge_index, "W": W, "b": b}

def reference(feature, edge_index, W, b):
    # gcn_msg: copy src node feature 'h' to message 'm' on each edge
    src = edge_index[0]
    dst = edge_index[1]
    m = jnp.take(feature, src, axis=0)            # gather: [E, D]
    # gcn_reduce: sum messages at destination nodes
    h = jax.ops.segment_sum(m, dst, num_segments=N)  # scatter-add: [N, D]
    # self.linear(h)
    return h @ W.T + b

if __name__ == "__main__":
    import jax
    _d = setup_inputs()
    print(jax.jit(kernel)(*tuple(_d.values())))

</pallas_src>

<mosaic_0001>
#map = affine_map<(d0, d1) -> (0, 0)>
#map1 = affine_map<(d0, d1) -> (0)>
#map2 = affine_map<(d0, d1) -> (0, 0, 0)>
module attributes {stable_mosaic.version = 14 : i64} {
  func.func @scatter_kernel(%arg0: i32, %arg1: i32, %arg2: memref<10000x128xf32, #tpu.memory_space<hbm>>, %arg3: memref<640000xi32, #tpu.memory_space<hbm>>, %arg4: memref<2x10240x128xf32, #tpu.memory_space<hbm>>, %arg5: memref<80xi32, #tpu.memory_space<vmem>>, %arg6: memref<80xi32, #tpu.memory_space<vmem>>, %arg7: memref<80xi32, #tpu.memory_space<vmem>>, %arg8: memref<80xi32, #tpu.memory_space<vmem>>, %arg9: memref<80xi32, #tpu.memory_space<vmem>>, %arg10: memref<80xi32, #tpu.memory_space<vmem>>, %arg11: memref<80xi32, #tpu.memory_space<vmem>>, %arg12: memref<80xi32, #tpu.memory_space<vmem>>, %arg13: memref<80x128xf32, #tpu.memory_space<vmem>>, %arg14: memref<80x128xf32, #tpu.memory_space<vmem>>, %arg15: memref<80x128xf32, #tpu.memory_space<vmem>>, %arg16: memref<80x128xf32, #tpu.memory_space<vmem>>, %arg17: memref<10240x128xf32, #tpu.memory_space<vmem_shared>>, %arg18: memref<!tpu.dma_semaphore, #tpu.memory_space<semaphore_mem>>, %arg19: memref<!tpu.dma_semaphore, #tpu.memory_space<semaphore_mem>>, %arg20: memref<!tpu.dma_semaphore, #tpu.memory_space<semaphore_mem>>, %arg21: memref<!tpu.dma_semaphore, #tpu.memory_space<semaphore_mem>>) attributes {dimension_semantics = [#tpu.dimension_semantics<core_parallel>, #tpu.dimension_semantics<subcore_parallel>], iteration_bounds = array<i64: 2, 16>, scalar_prefetch = 0 : i64, scratch_operands = 17 : i64, tpu.core_type = #tpu.core_type<sc_vector_subcore>, window_params = [{transform_indices = #map}, {transform_indices = #map1}, {transform_indices = #map2}]} {
    %mul3A = arith.constant 2 : i32
    %mul3A_0 = arith.muli %arg1, %mul3A : i32
    %add3A = arith.addi %mul3A_0, %arg0 : i32
    %mul3A_1 = arith.constant 10000 : i32
    %mul3A_2 = arith.muli %add3A, %mul3A_1 : i32
    %add3A_3 = arith.constant 0 : i32
    %add3A_4 = arith.addi %mul3A_2, %add3A_3 : i32
    "tpu.region"() ({
      %run_scoped3A = tpu.sem_alloc : memref<!tpu.dma_semaphore, #tpu.memory_space<semaphore_mem>>
      %dma_start3A_116 = tpu.memref_slice %arg3[%add3A_4] : memref<640000xi32, #tpu.memory_space<hbm>> -> memref<80xi32, #tpu.memory_space<hbm>>
      %dma_start3A_117 = tpu.memref_slice %arg3[%add3A_4] : memref<640000xi32, #tpu.memory_space<hbm>> -> memref<80xi32, #tpu.memory_space<hbm>>
      tpu.enqueue_dma source(%dma_start3A_117 : memref<80xi32, #tpu.memory_space<hbm>>) target(%arg5 : memref<80xi32, #tpu.memory_space<vmem>>) target_semaphore(%run_scoped3A : memref<!tpu.dma_semaphore, #tpu.memory_space<semaphore_mem>>)
      %dma_wait3A_118 = tpu.memref_slice %arg3[%add3A_4] : memref<640000xi32, #tpu.memory_space<hbm>> -> memref<80xi32, #tpu.memory_space<hbm>>
      %dma_wait3A_119 = tpu.memref_slice %arg3[%add3A_4] : memref<640000xi32, #tpu.memory_space<hbm>> -> memref<80xi32, #tpu.memory_space<hbm>>
      tpu.wait_dma2 semaphore(%run_scoped3A : memref<!tpu.dma_semaphore, #tpu.memory_space<semaphore_mem>>) src(%dma_wait3A_119 : memref<80xi32, #tpu.memory_space<hbm>>) dst(%arg5 : memref<80xi32, #tpu.memory_space<vmem>>)
      tpu.yield
    }) : () -> ()
    %dma_start3A = arith.constant 0 : i32
    %dma_start3A_5 = arith.constant 0 : i32
    %dma_start3A_6 = tpu.memref_slice %arg2[%dma_start3A, %dma_start3A_5] : memref<10000x128xf32, #tpu.memory_space<hbm>> -> memref<10000x128xf32, #tpu.memory_space<hbm>>
    tpu.enqueue_indirect_dma source(%dma_start3A_6 : memref<10000x128xf32, #tpu.memory_space<hbm>>) target(%arg13 : memref<80x128xf32, #tpu.memory_space<vmem>>) offsets(%arg5 : memref<80xi32, #tpu.memory_space<vmem>>) semaphore(%arg18 : memref<!tpu.dma_semaphore, #tpu.memory_space<semaphore_mem>>)
    %add3A_7 = arith.constant 80 : i32
    %add3A_8 = arith.addi %mul3A_2, %add3A_7 : i32
    "tpu.region"() ({
      %run_scoped3A = tpu.sem_alloc : memref<!tpu.dma_semaphore, #tpu.memory_space<semaphore_mem>>
      %dma_start3A_116 = tpu.memref_slice %arg3[%add3A_8] : memref<640000xi32, #tpu.memory_space<hbm>> -> memref<80xi32, #tpu.memory_space<hbm>>
      %dma_start3A_117 = tpu.memref_slice %arg3[%add3A_8] : memref<640000xi32, #tpu.memory_space<hbm>> -> memref<80xi32, #tpu.memory_space<hbm>>
      tpu.enqueue_dma source(%dma_start3A_117 : memref<80xi32, #tpu.memory_space<hbm>>) target(%arg6 : memref<80xi32, #tpu.memory_space<vmem>>) target_semaphore(%run_scoped3A : memref<!tpu.dma_semaphore, #tpu.memory_space<semaphore_mem>>)
      %dma_wait3A_118 = tpu.memref_slice %arg3[%add3A_8] : memref<640000xi32, #tpu.memory_space<hbm>> -> memref<80xi32, #tpu.memory_space<hbm>>
      %dma_wait3A_119 = tpu.memref_slice %arg3[%add3A_8] : memref<640000xi32, #tpu.memory_space<hbm>> -> memref<80xi32, #tpu.memory_space<hbm>>
      tpu.wait_dma2 semaphore(%run_scoped3A : memref<!tpu.dma_semaphore, #tpu.memory_space<semaphore_mem>>) src(%dma_wait3A_119 : memref<80xi32, #tpu.memory_space<hbm>>) dst(%arg6 : memref<80xi32, #tpu.memory_space<vmem>>)
      tpu.yield
    }) : () -> ()
    %dma_start3A_9 = arith.constant 0 : i32
    %dma_start3A_10 = arith.constant 0 : i32
    %dma_start3A_11 = tpu.memref_slice %arg2[%dma_start3A_9, %dma_start3A_10] : memref<10000x128xf32, #tpu.memory_space<hbm>> -> memref<10000x128xf32, #tpu.memory_space<hbm>>
    tpu.enqueue_indirect_dma source(%dma_start3A_11 : memref<10000x128xf32, #tpu.memory_space<hbm>>) target(%arg14 : memref<80x128xf32, #tpu.memory_space<vmem>>) offsets(%arg6 : memref<80xi32, #tpu.memory_space<vmem>>) semaphore(%arg18 : memref<!tpu.dma_semaphore, #tpu.memory_space<semaphore_mem>>)
    %add3A_12 = arith.constant 160 : i32
    %add3A_13 = arith.addi %mul3A_2, %add3A_12 : i32
    "tpu.region"() ({
      %run_scoped3A = tpu.sem_alloc : memref<!tpu.dma_semaphore, #tpu.memory_space<semaphore_mem>>
      %dma_start3A_116 = tpu.memref_slice %arg3[%add3A_13] : memref<640000xi32, #tpu.memory_space<hbm>> -> memref<80xi32, #tpu.memory_space<hbm>>
      %dma_start3A_117 = tpu.memref_slice %arg3[%add3A_13] : memref<640000xi32, #tpu.memory_space<hbm>> -> memref<80xi32, #tpu.memory_space<hbm>>
      tpu.enqueue_dma source(%dma_start3A_117 : memref<80xi32, #tpu.memory_space<hbm>>) target(%arg7 : memref<80xi32, #tpu.memory_space<vmem>>) target_semaphore(%run_scoped3A : memref<!tpu.dma_semaphore, #tpu.memory_space<semaphore_mem>>)
      %dma_wait3A_118 = tpu.memref_slice %arg3[%add3A_13] : memref<640000xi32, #tpu.memory_space<hbm>> -> memref<80xi32, #tpu.memory_space<hbm>>
      %dma_wait3A_119 = tpu.memref_slice %arg3[%add3A_13] : memref<640000xi32, #tpu.memory_space<hbm>> -> memref<80xi32, #tpu.memory_space<hbm>>
      tpu.wait_dma2 semaphore(%run_scoped3A : memref<!tpu.dma_semaphore, #tpu.memory_space<semaphore_mem>>) src(%dma_wait3A_119 : memref<80xi32, #tpu.memory_space<hbm>>) dst(%arg7 : memref<80xi32, #tpu.memory_space<vmem>>)
      tpu.yield
    }) : () -> ()
    %dma_start3A_14 = arith.constant 0 : i32
    %dma_start3A_15 = arith.constant 0 : i32
    %dma_start3A_16 = tpu.memref_slice %arg2[%dma_start3A_14, %dma_start3A_15] : memref<10000x128xf32, #tpu.memory_space<hbm>> -> memref<10000x128xf32, #tpu.memory_space<hbm>>
    tpu.enqueue_indirect_dma source(%dma_start3A_16 : memref<10000x128xf32, #tpu.memory_space<hbm>>) target(%arg15 : memref<80x128xf32, #tpu.memory_space<vmem>>) offsets(%arg7 : memref<80xi32, #tpu.memory_space<vmem>>) semaphore(%arg18 : memref<!tpu.dma_semaphore, #tpu.memory_space<semaphore_mem>>)
    %add3A_17 = arith.constant 240 : i32
    %add3A_18 = arith.addi %mul3A_2, %add3A_17 : i32
    %dma_start3A_19 = tpu.memref_slice %arg3[%add3A_18] : memref<640000xi32, #tpu.memory_space<hbm>> -> memref<80xi32, #tpu.memory_space<hbm>>
    %dma_start3A_20 = tpu.memref_slice %arg3[%add3A_18] : memref<640000xi32, #tpu.memory_space<hbm>> -> memref<80xi32, #tpu.memory_space<hbm>>
    tpu.enqueue_dma source(%dma_start3A_20 : memref<80xi32, #tpu.memory_space<hbm>>) target(%arg8 : memref<80xi32, #tpu.memory_space<vmem>>) target_semaphore(%arg19 : memref<!tpu.dma_semaphore, #tpu.memory_space<semaphore_mem>>)
    %add3A_21 = arith.constant 320000 : i32
    %add3A_22 = arith.addi %add3A_21, %mul3A_2 : i32
    %add3A_23 = arith.constant 0 : i32
    %add3A_24 = arith.addi %add3A_22, %add3A_23 : i32
    %dma_start3A_25 = tpu.memref_slice %arg3[%add3A_24] : memref<640000xi32, #tpu.memory_space<hbm>> -> memref<80xi32, #tpu.memory_space<hbm>>
    %dma_start3A_26 = tpu.memref_slice %arg3[%add3A_24] : memref<640000xi32, #tpu.memory_space<hbm>> -> memref<80xi32, #tpu.memory_space<hbm>>
    tpu.enqueue_dma source(%dma_start3A_26 : memref<80xi32, #tpu.memory_space<hbm>>) target(%arg9 : memref<80xi32, #tpu.memory_space<vmem>>) target_semaphore(%arg20 : memref<!tpu.dma_semaphore, #tpu.memory_space<semaphore_mem>>)
    %add3A_27 = arith.constant 320000 : i32
    %add3A_28 = arith.addi %add3A_27, %mul3A_2 : i32
    %add3A_29 = arith.constant 80 : i32
    %add3A_30 = arith.addi %add3A_28, %add3A_29 : i32
    %dma_start3A_31 = tpu.memref_slice %arg3[%add3A_30] : memref<640000xi32, #tpu.memory_space<hbm>> -> memref<80xi32, #tpu.memory_space<hbm>>
    %dma_start3A_32 = tpu.memref_slice %arg3[%add3A_30] : memref<640000xi32, #tpu.memory_space<hbm>> -> memref<80xi32, #tpu.memory_space<hbm>>
    tpu.enqueue_dma source(%dma_start3A_32 : memref<80xi32, #tpu.memory_space<hbm>>) target(%arg10 : memref<80xi32, #tpu.memory_space<vmem>>) target_semaphore(%arg20 : memref<!tpu.dma_semaphore, #tpu.memory_space<semaphore_mem>>)
    %scan3A = arith.constant 0 : i32
    %scan3A_33 = arith.constant 0 : i32
    %scan3A_34 = arith.constant 80 : i32
    %scan3A_35 = arith.addi %scan3A_33, %scan3A_34 : i32
    %scan3A_36 = arith.constant 1 : i32
    scf.for %scan3A_116 = %scan3A_33 to %scan3A_35 step %scan3A_36  : i32 {
      %broadcast_in_dim3A = arith.constant 0.000000e+00 : f32
      %broadcast_in_dim3A_117 = vector.broadcast %broadcast_in_dim3A : f32 to vector<16xf32>
      %swap3A = arith.index_cast %scan3A_116 : i32 to index
      %swap3A_118 = arith.constant 0 : index
      %swap3A_119 = tpu.vector_load %arg16[%swap3A, %swap3A_118] {strides = array<i32>} : memref<80x128xf32, #tpu.memory_space<vmem>>, vector<1x16xf32>,
      %swap3A_120 = vector.shape_cast %swap3A_119 : vector<1x16xf32> to vector<16xf32>
      %swap3A_121 = vector.shape_cast %broadcast_in_dim3A_117 : vector<16xf32> to vector<1x16xf32>
      tpu.vector_store %arg16[%swap3A, %swap3A_118], %swap3A_121 {strides = array<i32>} : memref<80x128xf32, #tpu.memory_space<vmem>>, vector<1x16xf32>,
      %broadcast_in_dim3A_122 = arith.constant 0.000000e+00 : f32
      %broadcast_in_dim3A_123 = vector.broadcast %broadcast_in_dim3A_122 : f32 to vector<16xf32>
      %swap3A_124 = arith.index_cast %scan3A_116 : i32 to index
      %swap3A_125 = arith.constant 16 : index
      %swap3A_126 = tpu.vector_load %arg16[%swap3A_124, %swap3A_125] {strides = array<i32>} : memref<80x128xf32, #tpu.memory_space<vmem>>, vector<1x16xf32>,
      %swap3A_127 = vector.shape_cast %swap3A_126 : vector<1x16xf32> to vector<16xf32>
      %swap3A_128 = vector.shape_cast %broadcast_in_dim3A_123 : vector<16xf32> to vector<1x16xf32>
      tpu.vector_store %arg16[%swap3A_124, %swap3A_125], %swap3A_128 {strides = array<i32>} : memref<80x128xf32, #tpu.memory_space<vmem>>, vector<1x16xf32>,
      %broadcast_in_dim3A_129 = arith.constant 0.000000e+00 : f32
      %broadcast_in_dim3A_130 = vector.broadcast %broadcast_in_dim3A_129 : f32 to vector<16xf32>
      %swap3A_131 = arith.index_cast %scan3A_116 : i32 to index
      %swap3A_132 = arith.constant 32 : index
      %swap3A_133 = tpu.vector_load %arg16[%swap3A_131, %swap3A_132] {strides = array<i32>} : memref<80x128xf32, #tpu.memory_space<vmem>>, vector<1x16xf32>,
      %swap3A_134 = vector.shape_cast %swap3A_133 : vector<1x16xf32> to vector<16xf32>
      %swap3A_135 = vector.shape_cast %broadcast_in_dim3A_130 : vector<16xf32> to vector<1x16xf32>
      tpu.vector_store %arg16[%swap3A_131, %swap3A_132], %swap3A_135 {strides = array<i32>} : memref<80x128xf32, #tpu.memory_space<vmem>>, vector<1x16xf32>,
      %broadcast_in_dim3A_136 = arith.constant 0.000000e+00 : f32
      %broadcast_in_dim3A_137 = vector.broadcast %broadcast_in_dim3A_136 : f32 to vector<16xf32>
      %swap3A_138 = arith.index_cast %scan3A_116 : i32 to index
      %swap3A_139 = arith.constant 48 : index
      %swap3A_140 = tpu.vector_load %arg16[%swap3A_138, %swap3A_139] {strides = array<i32>} : memref<80x128xf32, #tpu.memory_space<vmem>>, vector<1x16xf32>,
      %swap3A_141 = vector.shape_cast %swap3A_140 : vector<1x16xf32> to vector<16xf32>
      %swap3A_142 = vector.shape_cast %broadcast_in_dim3A_137 : vector<16xf32> to vector<1x16xf32>
      tpu.vector_store %arg16[%swap3A_138, %swap3A_139], %swap3A_142 {strides = array<i32>} : memref<80x128xf32, #tpu.memory_space<vmem>>, vector<1x16xf32>,
      %broadcast_in_dim3A_143 = arith.constant 0.000000e+00 : f32
      %broadcast_in_dim3A_144 = vector.broadcast %broadcast_in_dim3A_143 : f32 to vector<16xf32>
      %swap3A_145 = arith.index_cast %scan3A_116 : i32 to index
      %swap3A_146 = arith.constant 64 : index
      %swap3A_147 = tpu.vector_load %arg16[%swap3A_145, %swap3A_146] {strides = array<i32>} : memref<80x128xf32, #tpu.memory_space<vmem>>, vector<1x16xf32>,
      %swap3A_148 = vector.shape_cast %swap3A_147 : vector<1x16xf32> to vector<16xf32>
      %swap3A_149 = vector.shape_cast %broadcast_in_dim3A_144 : vector<16xf32> to vector<1x16xf32>
      tpu.vector_store %arg16[%swap3A_145, %swap3A_146], %swap3A_149 {strides = array<i32>} : memref<80x128xf32, #tpu.memory_space<vmem>>, vector<1x16xf32>,
      %broadcast_in_dim3A_150 = arith.constant 0.000000e+00 : f32
      %broadcast_in_dim3A_151 = vector.broadcast %broadcast_in_dim3A_150 : f32 to vector<16xf32>
      %swap3A_152 = arith.index_cast %scan3A_116 : i32 to index
      %swap3A_153 = arith.constant 80 : index
      %swap3A_154 = tpu.vector_load %arg16[%swap3A_152, %swap3A_153] {strides = array<i32>} : memref<80x128xf32, #tpu.memory_space<vmem>>, vector<1x16xf32>,
      %swap3A_155 = vector.shape_cast %swap3A_154 : vector<1x16xf32> to vector<16xf32>
      %swap3A_156 = vector.shape_cast %broadcast_in_dim3A_151 : vector<16xf32> to vector<1x16xf32>
      tpu.vector_store %arg16[%swap3A_152, %swap3A_153], %swap3A_156 {strides = array<i32>} : memref<80x128xf32, #tpu.memory_space<vmem>>, vector<1x16xf32>,
      %broadcast_in_dim3A_157 = arith.constant 0.000000e+00 : f32
      %broadcast_in_dim3A_158 = vector.broadcast %broadcast_in_dim3A_157 : f32 to vector<16xf32>
      %swap3A_159 = arith.index_cast %scan3A_116 : i32 to index
      %swap3A_160 = arith.constant 96 : index
      %swap3A_161 = tpu.vector_load %arg16[%swap3A_159, %swap3A_160] {strides = array<i32>} : memref<80x128xf32, #tpu.memory_space<vmem>>, vector<1x16xf32>,
      %swap3A_162 = vector.shape_cast %swap3A_161 : vector<1x16xf32> to vector<16xf32>
      %swap3A_163 = vector.shape_cast %broadcast_in_dim3A_158 : vector<16xf32> to vector<1x16xf32>
      tpu.vector_store %arg16[%swap3A_159, %swap3A_160], %swap3A_163 {strides = array<i32>} : memref<80x128xf32, #tpu.memory_space<vmem>>, vector<1x16xf32>,
      %broadcast_in_dim3A_164 = arith.constant 0.000000e+00 : f32
      %broadcast_in_dim3A_165 = vector.broadcast %broadcast_in_dim3A_164 : f32 to vector<16xf32>
      %swap3A_166 = arith.index_cast %scan3A_116 : i32 to index
      %swap3A_167 = arith.constant 112 : index
      %swap3A_168 = tpu.vector_load %arg16[%swap3A_166, %swap3A_167] {strides = array<i32>} : memref<80x128xf32, #tpu.memory_space<vmem>>, vector<1x16xf32>,
      %swap3A_169 = vector.shape_cast %swap3A_168 : vector<1x16xf32> to vector<16xf32>
      %swap3A_170 = vector.shape_cast %broadcast_in_dim3A_165 : vector<16xf32> to vector<1x16xf32>
      tpu.vector_store %arg16[%swap3A_166, %swap3A_167], %swap3A_170 {strides = array<i32>} : memref<80x128xf32, #tpu.memory_space<vmem>>, vector<1x16xf32>,
    }
    %scan3A_37 = arith.constant 80 : i32
    %mul3A_38 = arith.constant 640 : i32
    %mul3A_39 = arith.muli %arg1, %mul3A_38 : i32
    %add3A_40 = arith.constant 0 : i32
    %add3A_41 = arith.addi %mul3A_39, %add3A_40 : i32
    "tpu.region"() ({
      %run_scoped3A = tpu.sem_alloc : memref<!tpu.dma_semaphore, #tpu.memory_space<semaphore_mem>>
      %dma_start3A_116 = arith.constant 0 : i32
      %dma_start3A_117 = tpu.memref_slice %arg17[%add3A_41, %dma_start3A_116] : memref<10240x128xf32, #tpu.memory_space<vmem_shared>> -> memref<80x128xf32, #tpu.memory_space<vmem_shared>>
      %dma_start3A_118 = arith.constant 0 : i32
      %dma_start3A_119 = tpu.memref_slice %arg17[%add3A_41, %dma_start3A_118] : memref<10240x128xf32, #tpu.memory_space<vmem_shared>> -> memref<80x128xf32, #tpu.memory_space<vmem_shared>>
      tpu.enqueue_dma source(%arg16 : memref<80x128xf32, #tpu.memory_space<vmem>>) target(%dma_start3A_119 : memref<80x128xf32, #tpu.memory_space<vmem_shared>>) target_semaphore(%run_scoped3A : memref<!tpu.dma_semaphore, #tpu.memory_space<semaphore_mem>>)
      %dma_wait3A_120 = arith.constant 0 : i32
      %dma_wait3A_121 = tpu.memref_slice %arg17[%add3A_41, %dma_wait3A_120] : memref<10240x128xf32, #tpu.memory_space<vmem_shared>> -> memref<80x128xf32, #tpu.memory_space<vmem_shared>>
      %dma_wait3A_122 = arith.constant 0 : i32
      %dma_wait3A_123 = tpu.memref_slice %arg17[%add3A_41, %dma_wait3A_122] : memref<10240x128xf32, #tpu.memory_space<vmem_shared>> -> memref<80x128xf32, #tpu.memory_space<vmem_shared>>
      tpu.wait_dma2 semaphore(%run_scoped3A : memref<!tpu.dma_semaphore, #tpu.memory_space<semaphore_mem>>) src(%arg16 : memref<80x128xf32, #tpu.memory_space<vmem>>) dst(%dma_wait3A_123 : memref<80x128xf32, #tpu.memory_space<vmem_shared>>)
      tpu.yield
    }) : () -> ()
    %mul3A_42 = arith.constant 640 : i32
    %mul3A_43 = arith.muli %arg1, %mul3A_42 : i32
    %add3A_44 = arith.constant 80 : i32
    %add3A_45 = arith.addi %mul3A_43, %add3A_44 : i32
    "tpu.region"() ({
      %run_scoped3A = tpu.sem_alloc : memref<!tpu.dma_semaphore, #tpu.memory_space<semaphore_mem>>
      %dma_start3A_116 = arith.constant 0 : i32
      %dma_start3A_117 = tpu.memref_slice %arg17[%add3A_45, %dma_start3A_116] : memref<10240x128xf32, #tpu.memory_space<vmem_shared>> -> memref<80x128xf32, #tpu.memory_space<vmem_shared>>
      %dma_start3A_118 = arith.constant 0 : i32
      %dma_start3A_119 = tpu.memref_slice %arg17[%add3A_45, %dma_start3A_118] : memref<10240x128xf32, #tpu.memory_space<vmem_shared>> -> memref<80x128xf32, #tpu.memory_space<vmem_shared>>
      tpu.enqueue_dma source(%arg16 : memref<80x128xf32, #tpu.memory_space<vmem>>) target(%dma_start3A_119 : memref<80x128xf32, #tpu.memory_space<vmem_shared>>) target_semaphore(%run_scoped3A : memref<!tpu.dma_semaphore, #tpu.memory_space<semaphore_mem>>)
      %dma_wait3A_120 = arith.constant 0 : i32
      %dma_wait3A_121 = tpu.memref_slice %arg17[%add3A_45, %dma_wait3A_120] : memref<10240x128xf32, #tpu.memory_space<vmem_shared>> -> memref<80x128xf32, #tpu.memory_space<vmem_shared>>
      %dma_wait3A_122 = arith.constant 0 : i32
      %dma_wait3A_123 = tpu.memref_slice %arg17[%add3A_45, %dma_wait3A_122] : memref<10240x128xf32, #tpu.memory_space<vmem_shared>> -> memref<80x128xf32, #tpu.memory_space<vmem_shared>>
      tpu.wait_dma2 semaphore(%run_scoped3A : memref<!tpu.dma_semaphore, #tpu.memory_space<semaphore_mem>>) src(%arg16 : memref<80x128xf32, #tpu.memory_space<vmem>>) dst(%dma_wait3A_123 : memref<80x128xf32, #tpu.memory_space<vmem_shared>>)
      tpu.yield
    }) : () -> ()
    %mul3A_46 = arith.constant 640 : i32
    %mul3A_47 = arith.muli %arg1, %mul3A_46 : i32
    %add3A_48 = arith.constant 160 : i32
    %add3A_49 = arith.addi %mul3A_47, %add3A_48 : i32
    "tpu.region"() ({
      %run_scoped3A = tpu.sem_alloc : memref<!tpu.dma_semaphore, #tpu.memory_space<semaphore_mem>>
      %dma_start3A_116 = arith.constant 0 : i32
      %dma_start3A_117 = tpu.memref_slice %arg17[%add3A_49, %dma_start3A_116] : memref<10240x128xf32, #tpu.memory_space<vmem_shared>> -> memref<80x128xf32, #tpu.memory_space<vmem_shared>>
      %dma_start3A_118 = arith.constant 0 : i32
      %dma_start3A_119 = tpu.memref_slice %arg17[%add3A_49, %dma_start3A_118] : memref<10240x128xf32, #tpu.memory_space<vmem_shared>> -> memref<80x128xf32, #tpu.memory_space<vmem_shared>>
      tpu.enqueue_dma source(%arg16 : memref<80x128xf32, #tpu.memory_space<vmem>>) target(%dma_start3A_119 : memref<80x128xf32, #tpu.memory_space<vmem_shared>>) target_semaphore(%run_scoped3A : memref<!tpu.dma_semaphore, #tpu.memory_space<semaphore_mem>>)
      %dma_wait3A_120 = arith.constant 0 : i32
      %dma_wait3A_121 = tpu.memref_slice %arg17[%add3A_49, %dma_wait3A_120] : memref<10240x128xf32, #tpu.memory_space<vmem_shared>> -> memref<80x128xf32, #tpu.memory_space<vmem_shared>>
      %dma_wait3A_122 = arith.constant 0 : i32
      %dma_wait3A_123 = tpu.memref_slice %arg17[%add3A_49, %dma_wait3A_122] : memref<10240x128xf32, #tpu.memory_space<vmem_shared>> -> memref<80x128xf32, #tpu.memory_space<vmem_shared>>
      tpu.wait_dma2 semaphore(%run_scoped3A : memref<!tpu.dma_semaphore, #tpu.memory_space<semaphore_mem>>) src(%arg16 : memref<80x128xf32, #tpu.memory_space<vmem>>) dst(%dma_wait3A_123 : memref<80x128xf32, #tpu.memory_space<vmem_shared>>)
      tpu.yield
    }) : () -> ()
    %mul3A_50 = arith.constant 640 : i32
    %mul3A_51 = arith.muli %arg1, %mul3A_50 : i32
    %add3A_52 = arith.constant 240 : i32
    %add3A_53 = arith.addi %mul3A_51, %add3A_52 : i32
    "tpu.region"() ({
      %run_scoped3A = tpu.sem_alloc : memref<!tpu.dma_semaphore, #tpu.memory_space<semaphore_mem>>
      %dma_start3A_116 = arith.constant 0 : i32
      %dma_start3A_117 = tpu.memref_slice %arg17[%add3A_53, %dma_start3A_116] : memref<10240x128xf32, #tpu.memory_space<vmem_shared>> -> memref<80x128xf32, #tpu.memory_space<vmem_shared>>
      %dma_start3A_118 = arith.constant 0 : i32
      %dma_start3A_119 = tpu.memref_slice %arg17[%add3A_53, %dma_start3A_118] : memref<10240x128xf32, #tpu.memory_space<vmem_shared>> -> memref<80x128xf32, #tpu.memory_space<vmem_shared>>
      tpu.enqueue_dma source(%arg16 : memref<80x128xf32, #tpu.memory_space<vmem>>) target(%dma_start3A_119 : memref<80x128xf32, #tpu.memory_space<vmem_shared>>) target_semaphore(%run_scoped3A : memref<!tpu.dma_semaphore, #tpu.memory_space<semaphore_mem>>)
      %dma_wait3A_120 = arith.constant 0 : i32
      %dma_wait3A_121 = tpu.memref_slice %arg17[%add3A_53, %dma_wait3A_120] : memref<10240x128xf32, #tpu.memory_space<vmem_shared>> -> memref<80x128xf32, #tpu.memory_space<vmem_shared>>
      %dma_wait3A_122 = arith.constant 0 : i32
      %dma_wait3A_123 = tpu.memref_slice %arg17[%add3A_53, %dma_wait3A_122] : memref<10240x128xf32, #tpu.memory_space<vmem_shared>> -> memref<80x128xf32, #tpu.memory_space<vmem_shared>>
      tpu.wait_dma2 semaphore(%run_scoped3A : memref<!tpu.dma_semaphore, #tpu.memory_space<semaphore_mem>>) src(%arg16 : memref<80x128xf32, #tpu.memory_space<vmem>>) dst(%dma_wait3A_123 : memref<80x128xf32, #tpu.memory_space<vmem_shared>>)
      tpu.yield
    }) : () -> ()
    %mul3A_54 = arith.constant 640 : i32
    %mul3A_55 = arith.muli %arg1, %mul3A_54 : i32
    %add3A_56 = arith.constant 320 : i32
    %add3A_57 = arith.addi %mul3A_55, %add3A_56 : i32
    "tpu.region"() ({
      %run_scoped3A = tpu.sem_alloc : memref<!tpu.dma_semaphore, #tpu.memory_space<semaphore_mem>>
      %dma_start3A_116 = arith.constant 0 : i32
      %dma_start3A_117 = tpu.memref_slice %arg17[%add3A_57, %dma_start3A_116] : memref<10240x128xf32, #tpu.memory_space<vmem_shared>> -> memref<80x128xf32, #tpu.memory_space<vmem_shared>>
      %dma_start3A_118 = arith.constant 0 : i32
      %dma_start3A_119 = tpu.memref_slice %arg17[%add3A_57, %dma_start3A_118] : memref<10240x128xf32, #tpu.memory_space<vmem_shared>> -> memref<80x128xf32, #tpu.memory_space<vmem_shared>>
      tpu.enqueue_dma source(%arg16 : memref<80x128xf32, #tpu.memory_space<vmem>>) target(%dma_start3A_119 : memref<80x128xf32, #tpu.memory_space<vmem_shared>>) target_semaphore(%run_scoped3A : memref<!tpu.dma_semaphore, #tpu.memory_space<semaphore_mem>>)
      %dma_wait3A_120 = arith.constant 0 : i32
      %dma_wait3A_121 = tpu.memref_slice %arg17[%add3A_57, %dma_wait3A_120] : memref<10240x128xf32, #tpu.memory_space<vmem_shared>> -> memref<80x128xf32, #tpu.memory_space<vmem_shared>>
      %dma_wait3A_122 = arith.constant 0 : i32
      %dma_wait3A_123 = tpu.memref_slice %arg17[%add3A_57, %dma_wait3A_122] : memref<10240x128xf32, #tpu.memory_space<vmem_shared>> -> memref<80x128xf32, #tpu.memory_space<vmem_shared>>
      tpu.wait_dma2 semaphore(%run_scoped3A : memref<!tpu.dma_semaphore, #tpu.memory_space<semaphore_mem>>) src(%arg16 : memref<80x128xf32, #tpu.memory_space<vmem>>) dst(%dma_wait3A_123 : memref<80x128xf32, #tpu.memory_space<vmem_shared>>)
      tpu.yield
    }) : () -> ()
    %mul3A_58 = arith.constant 640 : i32
    %mul3A_59 = arith.muli %arg1, %mul3A_58 : i32
    %add3A_60 = arith.constant 400 : i32
    %add3A_61 = arith.addi %mul3A_59, %add3A_60 : i32
    "tpu.region"() ({
      %run_scoped3A = tpu.sem_alloc : memref<!tpu.dma_semaphore, #tpu.memory_space<semaphore_mem>>
      %dma_start3A_116 = arith.constant 0 : i32
      %dma_start3A_117 = tpu.memref_slice %arg17[%add3A_61, %dma_start3A_116] : memref<10240x128xf32, #tpu.memory_space<vmem_shared>> -> memref<80x128xf32, #tpu.memory_space<vmem_shared>>
      %dma_start3A_118 = arith.constant 0 : i32
      %dma_start3A_119 = tpu.memref_slice %arg17[%add3A_61, %dma_start3A_118] : memref<10240x128xf32, #tpu.memory_space<vmem_shared>> -> memref<80x128xf32, #tpu.memory_space<vmem_shared>>
      tpu.enqueue_dma source(%arg16 : memref<80x128xf32, #tpu.memory_space<vmem>>) target(%dma_start3A_119 : memref<80x128xf32, #tpu.memory_space<vmem_shared>>) target_semaphore(%run_scoped3A : memref<!tpu.dma_semaphore, #tpu.memory_space<semaphore_mem>>)
      %dma_wait3A_120 = arith.constant 0 : i32
      %dma_wait3A_121 = tpu.memref_slice %arg17[%add3A_61, %dma_wait3A_120] : memref<10240x128xf32, #tpu.memory_space<vmem_shared>> -> memref<80x128xf32, #tpu.memory_space<vmem_shared>>
      %dma_wait3A_122 = arith.constant 0 : i32
      %dma_wait3A_123 = tpu.memref_slice %arg17[%add3A_61, %dma_wait3A_122] : memref<10240x128xf32, #tpu.memory_space<vmem_shared>> -> memref<80x128xf32, #tpu.memory_space<vmem_shared>>
      tpu.wait_dma2 semaphore(%run_scoped3A : memref<!tpu.dma_semaphore, #tpu.memory_space<semaphore_mem>>) src(%arg16 : memref<80x128xf32, #tpu.memory_space<vmem>>) dst(%dma_wait3A_123 : memref<80x128xf32, #tpu.memory_space<vmem_shared>>)
      tpu.yield
    }) : () -> ()
    %mul3A_62 = arith.constant 640 : i32
    %mul3A_63 = arith.muli %arg1, %mul3A_62 : i32
    %add3A_64 = arith.constant 480 : i32
    %add3A_65 = arith.addi %mul3A_63, %add3A_64 : i32
    "tpu.region"() ({
      %run_scoped3A = tpu.sem_alloc : memref<!tpu.dma_semaphore, #tpu.memory_space<semaphore_mem>>
      %dma_start3A_116 = arith.constant 0 : i32
      %dma_start3A_117 = tpu.memref_slice %arg17[%add3A_65, %dma_start3A_116] : memref<10240x128xf32, #tpu.memory_space<vmem_shared>> -> memref<80x128xf32, #tpu.memory_space<vmem_shared>>
      %dma_start3A_118 = arith.constant 0 : i32
      %dma_start3A_119 = tpu.memref_slice %arg17[%add3A_65, %dma_start3A_118] : memref<10240x128xf32, #tpu.memory_space<vmem_shared>> -> memref<80x128xf32, #tpu.memory_space<vmem_shared>>
      tpu.enqueue_dma source(%arg16 : memref<80x128xf32, #tpu.memory_space<vmem>>) target(%dma_start3A_119 : memref<80x128xf32, #tpu.memory_space<vmem_shared>>) target_semaphore(%run_scoped3A : memref<!tpu.dma_semaphore, #tpu.memory_space<semaphore_mem>>)
      %dma_wait3A_120 = arith.constant 0 : i32
      %dma_wait3A_121 = tpu.memref_slice %arg17[%add3A_65, %dma_wait3A_120] : memref<10240x128xf32, #tpu.memory_space<vmem_shared>> -> memref<80x128xf32, #tpu.memory_space<vmem_shared>>
      %dma_wait3A_122 = arith.constant 0 : i32
      %dma_wait3A_123 = tpu.memref_slice %arg17[%add3A_65, %dma_wait3A_122] : memref<10240x128xf32, #tpu.memory_space<vmem_shared>> -> memref<80x128xf32, #tpu.memory_space<vmem_shared>>
      tpu.wait_dma2 semaphore(%run_scoped3A : memref<!tpu.dma_semaphore, #tpu.memory_space<semaphore_mem>>) src(%arg16 : memref<80x128xf32, #tpu.memory_space<vmem>>) dst(%dma_wait3A_123 : memref<80x128xf32, #tpu.memory_space<vmem_shared>>)
      tpu.yield
    }) : () -> ()
    %mul3A_66 = arith.constant 640 : i32
    %mul3A_67 = arith.muli %arg1, %mul3A_66 : i32
    %add3A_68 = arith.constant 560 : i32
    %add3A_69 = arith.addi %mul3A_67, %add3A_68 : i32
    "tpu.region"() ({
      %run_scoped3A = tpu.sem_alloc : memref<!tpu.dma_semaphore, #tpu.memory_space<semaphore_mem>>
      %dma_start3A_116 = arith.constant 0 : i32
      %dma_start3A_117 = tpu.memref_slice %arg17[%add3A_69, %dma_start3A_116] : memref<10240x128xf32, #tpu.memory_space<vmem_shared>> -> memref<80x128xf32, #tpu.memory_space<vmem_shared>>
      %dma_start3A_118 = arith.constant 0 : i32
      %dma_start3A_119 = tpu.memref_slice %arg17[%add3A_69, %dma_start3A_118] : memref<10240x128xf32, #tpu.memory_space<vmem_shared>> -> memref<80x128xf32, #tpu.memory_space<vmem_shared>>
      tpu.enqueue_dma source(%arg16 : memref<80x128xf32, #tpu.memory_space<vmem>>) target(%dma_start3A_119 : memref<80x128xf32, #tpu.memory_space<vmem_shared>>) target_semaphore(%run_scoped3A : memref<!tpu.dma_semaphore, #tpu.memory_space<semaphore_mem>>)
      %dma_wait3A_120 = arith.constant 0 : i32
      %dma_wait3A_121 = tpu.memref_slice %arg17[%add3A_69, %dma_wait3A_120] : memref<10240x128xf32, #tpu.memory_space<vmem_shared>> -> memref<80x128xf32, #tpu.memory_space<vmem_shared>>
      %dma_wait3A_122 = arith.constant 0 : i32
      %dma_wait3A_123 = tpu.memref_slice %arg17[%add3A_69, %dma_wait3A_122] : memref<10240x128xf32, #tpu.memory_space<vmem_shared>> -> memref<80x128xf32, #tpu.memory_space<vmem_shared>>
      tpu.wait_dma2 semaphore(%run_scoped3A : memref<!tpu.dma_semaphore, #tpu.memory_space<semaphore_mem>>) src(%arg16 : memref<80x128xf32, #tpu.memory_space<vmem>>) dst(%dma_wait3A_123 : memref<80x128xf32, #tpu.memory_space<vmem_shared>>)
      tpu.yield
    }) : () -> ()
    %barrier3A = arith.constant 0 : index
    tpu.barrier barrier_id(%barrier3A)
    %scan3A_70 = arith.constant 0 : i32
    %scan3A_71 = arith.constant 0 : i32
    %scan3A_72 = arith.constant 31 : i32
    %scan3A_73 = arith.addi %scan3A_71, %scan3A_72 : i32
    %scan3A_74 = arith.constant 1 : i32
    scf.for %scan3A_116 = %scan3A_71 to %scan3A_73 step %scan3A_74  : i32 {
      %mul3A_117 = arith.constant 4 : i32
      %mul3A_118 = arith.muli %mul3A_117, %scan3A_116 : i32
      %add3A_119 = arith.constant 0 : i32
      %add3A_120 = arith.addi %mul3A_118, %add3A_119 : i32
      %dma_wait3A_121 = arith.constant 0 : i32
      %dma_wait3A_122 = arith.constant 0 : i32
      %dma_wait3A_123 = tpu.memref_slice %arg2[%dma_wait3A_121, %dma_wait3A_122] : memref<10000x128xf32, #tpu.memory_space<hbm>> -> memref<80x128xf32, #tpu.memory_space<hbm>>
      %dma_wait3A_124 = arith.constant 0 : i32
      %dma_wait3A_125 = arith.constant 0 : i32
      %dma_wait3A_126 = tpu.memref_slice %arg2[%dma_wait3A_124, %dma_wait3A_125] : memref<10000x128xf32, #tpu.memory_space<hbm>> -> memref<80x128xf32, #tpu.memory_space<hbm>>
      tpu.wait_dma2 semaphore(%arg18 : memref<!tpu.dma_semaphore, #tpu.memory_space<semaphore_mem>>) src(%dma_wait3A_126 : memref<80x128xf32, #tpu.memory_space<hbm>>) dst(%arg13 : memref<80x128xf32, #tpu.memory_space<vmem>>)
      %dma_wait3A_127 = arith.constant 0 : i32
      %dma_wait3A_128 = tpu.memref_slice %arg3[%dma_wait3A_127] : memref<640000xi32, #tpu.memory_space<hbm>> -> memref<80xi32, #tpu.memory_space<hbm>>
      %dma_wait3A_129 = arith.constant 0 : i32
      %dma_wait3A_130 = tpu.memref_slice %arg3[%dma_wait3A_129] : memref<640000xi32, #tpu.memory_space<hbm>> -> memref<80xi32, #tpu.memory_space<hbm>>
      tpu.wait_dma2 semaphore(%arg20 : memref<!tpu.dma_semaphore, #tpu.memory_space<semaphore_mem>>) src(%dma_wait3A_130 : memref<80xi32, #tpu.memory_space<hbm>>) dst(%arg9 : memref<80xi32, #tpu.memory_space<vmem>>)
      %ge3A = arith.constant 1 : i32
      %ge3A_131 = arith.cmpi sge, %add3A_120, %ge3A : i32
      %convert_element_type3A = arith.extui %ge3A_131 : i1 to i32
      %cond3A = arith.constant 0 : i32
      %cond3A_132 = arith.cmpi ne, %convert_element_type3A, %cond3A : i32
      scf.if %cond3A_132 {
        %dma_wait3A_306 = arith.constant 0 : i32
        %dma_wait3A_307 = arith.constant 0 : i32
        %dma_wait3A_308 = tpu.memref_slice %arg17[%dma_wait3A_306, %dma_wait3A_307] : memref<10240x128xf32, #tpu.memory_space<vmem_shared>> -> memref<80x128xf32, #tpu.memory_space<vmem_shared>>
        %dma_wait3A_309 = arith.constant 0 : i32
        %dma_wait3A_310 = arith.constant 0 : i32
        %dma_wait3A_311 = tpu.memref_slice %arg17[%dma_wait3A_309, %dma_wait3A_310] : memref<10240x128xf32, #tpu.memory_space<vmem_shared>> -> memref<80x128xf32, #tpu.memory_space<vmem_shared>>
        tpu.wait_dma2 semaphore(%arg21 : memref<!tpu.dma_semaphore, #tpu.memory_space<semaphore_mem>>) src(%arg13 : memref<80x128xf32, #tpu.memory_space<vmem>>) dst(%dma_wait3A_311 : memref<80x128xf32, #tpu.memory_space<vmem_shared>>)
      } else {
      }
      %dma_start3A_133 = arith.constant 0 : i32
      %dma_start3A_134 = arith.constant 0 : i32
      %dma_start3A_135 = tpu.memref_slice %arg17[%dma_start3A_133, %dma_start3A_134] : memref<10240x128xf32, #tpu.memory_space<vmem_shared>> -> memref<10240x128xf32, #tpu.memory_space<vmem_shared>>
      tpu.enqueue_indirect_dma source(%arg13 : memref<80x128xf32, #tpu.memory_space<vmem>>) target(%dma_start3A_135 : memref<10240x128xf32, #tpu.memory_space<vmem_shared>>) offsets(%arg9 : memref<80xi32, #tpu.memory_space<vmem>>) semaphore(%arg21 : memref<!tpu.dma_semaphore, #tpu.memory_space<semaphore_mem>>) {add = true}
      %add3A_136 = arith.constant 4 : i32
      %add3A_137 = arith.addi %add3A_120, %add3A_136 : i32
      %min3A = arith.constant 124 : i32
      %min3A_138 = arith.minsi %add3A_137, %min3A : i32
      %mul3A_139 = arith.constant 80 : i32
      %mul3A_140 = arith.muli %min3A_138, %mul3A_139 : i32
      %add3A_141 = arith.addi %mul3A_2, %mul3A_140 : i32
      %dma_start3A_142 = tpu.memref_slice %arg3[%add3A_141] : memref<640000xi32, #tpu.memory_space<hbm>> -> memref<80xi32, #tpu.memory_space<hbm>>
      %dma_start3A_143 = tpu.memref_slice %arg3[%add3A_141] : memref<640000xi32, #tpu.memory_space<hbm>> -> memref<80xi32, #tpu.memory_space<hbm>>
      tpu.enqueue_dma source(%dma_start3A_143 : memref<80xi32, #tpu.memory_space<hbm>>) target(%arg5 : memref<80xi32, #tpu.memory_space<vmem>>) target_semaphore(%arg19 : memref<!tpu.dma_semaphore, #tpu.memory_space<semaphore_mem>>)
      %add3A_144 = arith.constant 2 : i32
      %add3A_145 = arith.addi %add3A_120, %add3A_144 : i32
      %min3A_146 = arith.constant 124 : i32
      %min3A_147 = arith.minsi %add3A_145, %min3A_146 : i32
      %add3A_148 = arith.constant 320000 : i32
      %add3A_149 = arith.addi %add3A_148, %mul3A_2 : i32
      %mul3A_150 = arith.constant 80 : i32
      %mul3A_151 = arith.muli %min3A_147, %mul3A_150 : i32
      %add3A_152 = arith.addi %add3A_149, %mul3A_151 : i32
      %dma_start3A_153 = tpu.memref_slice %arg3[%add3A_152] : memref<640000xi32, #tpu.memory_space<hbm>> -> memref<80xi32, #tpu.memory_space<hbm>>
      %dma_start3A_154 = tpu.memref_slice %arg3[%add3A_152] : memref<640000xi32, #tpu.memory_space<hbm>> -> memref<80xi32, #tpu.memory_space<hbm>>
      tpu.enqueue_dma source(%dma_start3A_154 : memref<80xi32, #tpu.memory_space<hbm>>) target(%arg11 : memref<80xi32, #tpu.memory_space<vmem>>) target_semaphore(%arg20 : memref<!tpu.dma_semaphore, #tpu.memory_space<semaphore_mem>>)
      %dma_wait3A_155 = arith.constant 0 : i32
      %dma_wait3A_156 = tpu.memref_slice %arg3[%dma_wait3A_155] : memref<640000xi32, #tpu.memory_space<hbm>> -> memref<80xi32, #tpu.memory_space<hbm>>
      %dma_wait3A_157 = arith.constant 0 : i32
      %dma_wait3A_158 = tpu.memref_slice %arg3[%dma_wait3A_157] : memref<640000xi32, #tpu.memory_space<hbm>> -> memref<80xi32, #tpu.memory_space<hbm>>
      tpu.wait_dma2 semaphore(%arg19 : memref<!tpu.dma_semaphore, #tpu.memory_space<semaphore_mem>>) src(%dma_wait3A_158 : memref<80xi32, #tpu.memory_space<hbm>>) dst(%arg8 : memref<80xi32, #tpu.memory_space<vmem>>)
      %dma_start3A_159 = arith.constant 0 : i32
      %dma_start3A_160 = arith.constant 0 : i32
      %dma_start3A_161 = tpu.memref_slice %arg2[%dma_start3A_159, %dma_start3A_160] : memref<10000x128xf32, #tpu.memory_space<hbm>> -> memref<10000x128xf32, #tpu.memory_space<hbm>>
      tpu.enqueue_indirect_dma source(%dma_start3A_161 : memref<10000x128xf32, #tpu.memory_space<hbm>>) target(%arg16 : memref<80x128xf32, #tpu.memory_space<vmem>>) offsets(%arg8 : memref<80xi32, #tpu.memory_space<vmem>>) semaphore(%arg18 : memref<!tpu.dma_semaphore, #tpu.memory_space<semaphore_mem>>)
      %add3A_162 = arith.constant 1 : i32
      %add3A_163 = arith.addi %mul3A_118, %add3A_162 : i32
      %dma_wait3A_164 = arith.constant 0 : i32
      %dma_wait3A_165 = arith.constant 0 : i32
      %dma_wait3A_166 = tpu.memref_slice %arg2[%dma_wait3A_164, %dma_wait3A_165] : memref<10000x128xf32, #tpu.memory_space<hbm>> -> memref<80x128xf32, #tpu.memory_space<hbm>>
      %dma_wait3A_167 = arith.constant 0 : i32
      %dma_wait3A_168 = arith.constant 0 : i32
      %dma_wait3A_169 = tpu.memref_slice %arg2[%dma_wait3A_167, %dma_wait3A_168] : memref<10000x128xf32, #tpu.memory_space<hbm>> -> memref<80x128xf32, #tpu.memory_space<hbm>>
      tpu.wait_dma2 semaphore(%arg18 : memref<!tpu.dma_semaphore, #tpu.memory_space<semaphore_mem>>) src(%dma_wait3A_169 : memref<80x128xf32, #tpu.memory_space<hbm>>) dst(%arg14 : memref<80x128xf32, #tpu.memory_space<vmem>>)
      %dma_wait3A_170 = arith.constant 0 : i32
      %dma_wait3A_171 = tpu.memref_slice %arg3[%dma_wait3A_170] : memref<640000xi32, #tpu.memory_space<hbm>> -> memref<80xi32, #tpu.memory_space<hbm>>
      %dma_wait3A_172 = arith.constant 0 : i32
      %dma_wait3A_173 = tpu.memref_slice %arg3[%dma_wait3A_172] : memref<640000xi32, #tpu.memory_space<hbm>> -> memref<80xi32, #tpu.memory_space<hbm>>
      tpu.wait_dma2 semaphore(%arg20 : memref<!tpu.dma_semaphore, #tpu.memory_space<semaphore_mem>>) src(%dma_wait3A_173 : memref<80xi32, #tpu.memory_space<hbm>>) dst(%arg10 : memref<80xi32, #tpu.memory_space<vmem>>)
      %dma_wait3A_174 = arith.constant 0 : i32
      %dma_wait3A_175 = arith.constant 0 : i32
      %dma_wait3A_176 = tpu.memref_slice %arg17[%dma_wait3A_174, %dma_wait3A_175] : memref<10240x128xf32, #tpu.memory_space<vmem_shared>> -> memref<80x128xf32, #tpu.memory_space<vmem_shared>>
      %dma_wait3A_177 = arith.constant 0 : i32
      %dma_wait3A_178 = arith.constant 0 : i32
      %dma_wait3A_179 = tpu.memref_slice %arg17[%dma_wait3A_177, %dma_wait3A_178] : memref<10240x128xf32, #tpu.memory_space<vmem_shared>> -> memref<80x128xf32, #tpu.memory_space<vmem_shared>>
      tpu.wait_dma2 semaphore(%arg21 : memref<!tpu.dma_semaphore, #tpu.memory_space<semaphore_mem>>) src(%arg13 : memref<80x128xf32, #tpu.memory_space<vmem>>) dst(%dma_wait3A_179 : memref<80x128xf32, #tpu.memory_space<vmem_shared>>)
      %dma_start3A_180 = arith.constant 0 : i32
      %dma_start3A_181 = arith.constant 0 : i32
      %dma_start3A_182 = tpu.memref_slice %arg17[%dma_start3A_180, %dma_start3A_181] : memref<10240x128xf32, #tpu.memory_space<vmem_shared>> -> memref<10240x128xf32, #tpu.memory_space<vmem_shared>>
      tpu.enqueue_indirect_dma source(%arg14 : memref<80x128xf32, #tpu.memory_space<vmem>>) target(%dma_start3A_182 : memref<10240x128xf32, #tpu.memory_space<vmem_shared>>) offsets(%arg10 : memref<80xi32, #tpu.memory_space<vmem>>) semaphore(%arg21 : memref<!tpu.dma_semaphore, #tpu.memory_space<semaphore_mem>>) {add = true}
      %add3A_183 = arith.constant 4 : i32
      %add3A_184 = arith.addi %add3A_163, %add3A_183 : i32
      %min3A_185 = arith.constant 124 : i32
      %min3A_186 = arith.minsi %add3A_184, %min3A_185 : i32
      %mul3A_187 = arith.constant 80 : i32
      %mul3A_188 = arith.muli %min3A_186, %mul3A_187 : i32
      %add3A_189 = arith.addi %mul3A_2, %mul3A_188 : i32
      %dma_start3A_190 = tpu.memref_slice %arg3[%add3A_189] : memref<640000xi32, #tpu.memory_space<hbm>> -> memref<80xi32, #tpu.memory_space<hbm>>
      %dma_start3A_191 = tpu.memref_slice %arg3[%add3A_189] : memref<640000xi32, #tpu.memory_space<hbm>> -> memref<80xi32, #tpu.memory_space<hbm>>
      tpu.enqueue_dma source(%dma_start3A_191 : memref<80xi32, #tpu.memory_space<hbm>>) target(%arg6 : memref<80xi32, #tpu.memory_space<vmem>>) target_semaphore(%arg19 : memref<!tpu.dma_semaphore, #tpu.memory_space<semaphore_mem>>)
      %add3A_192 = arith.constant 2 : i32
      %add3A_193 = arith.addi %add3A_163, %add3A_192 : i32
      %min3A_194 = arith.constant 124 : i32
      %min3A_195 = arith.minsi %add3A_193, %min3A_194 : i32
      %add3A_196 = arith.constant 320000 : i32
      %add3A_197 = arith.addi %add3A_196, %mul3A_2 : i32
      %mul3A_198 = arith.constant 80 : i32
      %mul3A_199 = arith.muli %min3A_195, %mul3A_198 : i32
      %add3A_200 = arith.addi %add3A_197, %mul3A_199 : i32
      %dma_start3A_201 = tpu.memref_slice %arg3[%add3A_200] : memref<640000xi32, #tpu.memory_space<hbm>> -> memref<80xi32, #tpu.memory_space<hbm>>
      %dma_start3A_202 = tpu.memref_slice %arg3[%add3A_200] : memref<640000xi32, #tpu.memory_space<hbm>> -> memref<80xi32, #tpu.memory_space<hbm>>
      tpu.enqueue_dma source(%dma_start3A_202 : memref<80xi32, #tpu.memory_space<hbm>>) target(%arg12 : memref<80xi32, #tpu.memory_space<vmem>>) target_semaphore(%arg20 : memref<!tpu.dma_semaphore, #tpu.memory_space<semaphore_mem>>)
      %dma_wait3A_203 = arith.constant 0 : i32
      %dma_wait3A_204 = tpu.memref_slice %arg3[%dma_wait3A_203] : memref<640000xi32, #tpu.memory_space<hbm>> -> memref<80xi32, #tpu.memory_space<hbm>>
      %dma_wait3A_205 = arith.constant 0 : i32
      %dma_wait3A_206 = tpu.memref_slice %arg3[%dma_wait3A_205] : memref<640000xi32, #tpu.memory_space<hbm>> -> memref<80xi32, #tpu.memory_space<hbm>>
      tpu.wait_dma2 semaphore(%arg19 : memref<!tpu.dma_semaphore, #tpu.memory_space<semaphore_mem>>) src(%dma_wait3A_206 : memref<80xi32, #tpu.memory_space<hbm>>) dst(%arg5 : memref<80xi32, #tpu.memory_space<vmem>>)
      %dma_start3A_207 = arith.constant 0 : i32
      %dma_start3A_208 = arith.constant 0 : i32
      %dma_start3A_209 = tpu.memref_slice %arg2[%dma_start3A_207, %dma_start3A_208] : memref<10000x128xf32, #tpu.memory_space<hbm>> -> memref<10000x128xf32, #tpu.memory_space<hbm>>
      tpu.enqueue_indirect_dma source(%dma_start3A_209 : memref<10000x128xf32, #tpu.memory_space<hbm>>) target(%arg13 : memref<80x128xf32, #tpu.memory_space<vmem>>) offsets(%arg5 : memref<80xi32, #tpu.memory_space<vmem>>) semaphore(%arg18 : memref<!tpu.dma_semaphore, #tpu.memory_space<semaphore_mem>>)
      %add3A_210 = arith.constant 2 : i32
      %add3A_211 = arith.addi %mul3A_118, %add3A_210 : i32
      %dma_wait3A_212 = arith.constant 0 : i32
      %dma_wait3A_213 = arith.constant 0 : i32
      %dma_wait3A_214 = tpu.memref_slice %arg2[%dma_wait3A_212, %dma_wait3A_213] : memref<10000x128xf32, #tpu.memory_space<hbm>> -> memref<80x128xf32, #tpu.memory_space<hbm>>
      %dma_wait3A_215 = arith.constant 0 : i32
      %dma_wait3A_216 = arith.constant 0 : i32
      %dma_wait3A_217 = tpu.memref_slice %arg2[%dma_wait3A_215, %dma_wait3A_216] : memref<10000x128xf32, #tpu.memory_space<hbm>> -> memref<80x128xf32, #tpu.memory_space<hbm>>
      tpu.wait_dma2 semaphore(%arg18 : memref<!tpu.dma_semaphore, #tpu.memory_space<semaphore_mem>>) src(%dma_wait3A_217 : memref<80x128xf32, #tpu.memory_space<hbm>>) dst(%arg15 : memref<80x128xf32, #tpu.memory_space<vmem>>)
      %dma_wait3A_218 = arith.constant 0 : i32
      %dma_wait3A_219 = tpu.memref_slice %arg3[%dma_wait3A_218] : memref<640000xi32, #tpu.memory_space<hbm>> -> memref<80xi32, #tpu.memory_space<hbm>>
      %dma_wait3A_220 = arith.constant 0 : i32
      %dma_wait3A_221 = tpu.memref_slice %arg3[%dma_wait3A_220] : memref<640000xi32, #tpu.memory_space<hbm>> -> memref<80xi32, #tpu.memory_space<hbm>>
      tpu.wait_dma2 semaphore(%arg20 : memref<!tpu.dma_semaphore, #tpu.memory_space<semaphore_mem>>) src(%dma_wait3A_221 : memref<80xi32, #tpu.memory_space<hbm>>) dst(%arg11 : memref<80xi32, #tpu.memory_space<vmem>>)
      %dma_wait3A_222 = arith.constant 0 : i32
      %dma_wait3A_223 = arith.constant 0 : i32
      %dma_wait3A_224 = tpu.memref_slice %arg17[%dma_wait3A_222, %dma_wait3A_223] : memref<10240x128xf32, #tpu.memory_space<vmem_shared>> -> memref<80x128xf32, #tpu.memory_space<vmem_shared>>
      %dma_wait3A_225 = arith.constant 0 : i32
      %dma_wait3A_226 = arith.constant 0 : i32
      %dma_wait3A_227 = tpu.memref_slice %arg17[%dma_wait3A_225, %dma_wait3A_226] : memref<10240x128xf32, #tpu.memory_space<vmem_shared>> -> memref<80x128xf32, #tpu.memory_space<vmem_shared>>
      tpu.wait_dma2 semaphore(%arg21 : memref<!tpu.dma_semaphore, #tpu.memory_space<semaphore_mem>>) src(%arg13 : memref<80x128xf32, #tpu.memory_space<vmem>>) dst(%dma_wait3A_227 : memref<80x128xf32, #tpu.memory_space<vmem_shared>>)
      %dma_start3A_228 = arith.constant 0 : i32
      %dma_start3A_229 = arith.constant 0 : i32
      %dma_start3A_230 = tpu.memref_slice %arg17[%dma_start3A_228, %dma_start3A_229] : memref<10240x128xf32, #tpu.memory_space<vmem_shared>> -> memref<10240x128xf32, #tpu.memory_space<vmem_shared>>
      tpu.enqueue_indirect_dma source(%arg15 : memref<80x128xf32, #tpu.memory_space<vmem>>) target(%dma_start3A_230 : memref<10240x128xf32, #tpu.memory_space<vmem_shared>>) offsets(%arg11 : memref<80xi32, #tpu.memory_space<vmem>>) semaphore(%arg21 : memref<!tpu.dma_semaphore, #tpu.memory_space<semaphore_mem>>) {add = true}
      %add3A_231 = arith.constant 4 : i32
      %add3A_232 = arith.addi %add3A_211, %add3A_231 : i32
      %min3A_233 = arith.constant 124 : i32
      %min3A_234 = arith.minsi %add3A_232, %min3A_233 : i32
      %mul3A_235 = arith.constant 80 : i32
      %mul3A_236 = arith.muli %min3A_234, %mul3A_235 : i32
      %add3A_237 = arith.addi %mul3A_2, %mul3A_236 : i32
      %dma_start3A_238 = tpu.memref_slice %arg3[%add3A_237] : memref<640000xi32, #tpu.memory_space<hbm>> -> memref<80xi32, #tpu.memory_space<hbm>>
      %dma_start3A_239 = tpu.memref_slice %arg3[%add3A_237] : memref<640000xi32, #tpu.memory_space<hbm>> -> memref<80xi32, #tpu.memory_space<hbm>>
      tpu.enqueue_dma source(%dma_start3A_239 : memref<80xi32, #tpu.memory_space<hbm>>) target(%arg7 : memref<80xi32, #tpu.memory_space<vmem>>) target_semaphore(%arg19 : memref<!tpu.dma_semaphore, #tpu.memory_space<semaphore_mem>>)
      %add3A_240 = arith.constant 2 : i32
      %add3A_241 = arith.addi %add3A_211, %add3A_240 : i32
      %min3A_242 = arith.constant 124 : i32
      %min3A_243 = arith.minsi %add3A_241, %min3A_242 : i32
      %add3A_244 = arith.constant 320000 : i32
      %add3A_245 = arith.addi %add3A_244, %mul3A_2 : i32
      %mul3A_246 = arith.constant 80 : i32
      %mul3A_247 = arith.muli %min3A_243, %mul3A_246 : i32
      %add3A_248 = arith.addi %add3A_245, %mul3A_247 : i32
      %dma_start3A_249 = tpu.memref_slice %arg3[%add3A_248] : memref<640000xi32, #tpu.memory_space<hbm>> -> memref<80xi32, #tpu.memory_space<hbm>>
      %dma_start3A_250 = tpu.memref_slice %arg3[%add3A_248] : memref<640000xi32, #tpu.memory_space<hbm>> -> memref<80xi32, #tpu.memory_space<hbm>>
      tpu.enqueue_dma source(%dma_start3A_250 : memref<80xi32, #tpu.memory_space<hbm>>) target(%arg9 : memref<80xi32, #tpu.memory_space<vmem>>) target_semaphore(%arg20 : memref<!tpu.dma_semaphore, #tpu.memory_space<semaphore_mem>>)
      %dma_wait3A_251 = arith.constant 0 : i32
      %dma_wait3A_252 = tpu.memref_slice %arg3[%dma_wait3A_251] : memref<640000xi32, #tpu.memory_space<hbm>> -> memref<80xi32, #tpu.memory_space<hbm>>
      %dma_wait3A_253 = arith.constant 0 : i32
      %dma_wait3A_254 = tpu.memref_slice %arg3[%dma_wait3A_253] : memref<640000xi32, #tpu.memory_space<hbm>> -> memref<80xi32, #tpu.memory_space<hbm>>
      tpu.wait_dma2 semaphore(%arg19 : memref<!tpu.dma_semaphore, #tpu.memory_space<semaphore_mem>>) src(%dma_wait3A_254 : memref<80xi32, #tpu.memory_space<hbm>>) dst(%arg6 : memref<80xi32, #tpu.memory_space<vmem>>)
      %dma_start3A_255 = arith.constant 0 : i32
      %dma_start3A_256 = arith.constant 0 : i32
      %dma_start3A_257 = tpu.memref_slice %arg2[%dma_start3A_255, %dma_start3A_256] : memref<10000x128xf32, #tpu.memory_space<hbm>> -> memref<10000x128xf32, #tpu.memory_space<hbm>>
      tpu.enqueue_indirect_dma source(%dma_start3A_257 : memref<10000x128xf32, #tpu.memory_space<hbm>>) target(%arg14 : memref<80x128xf32, #tpu.memory_space<vmem>>) offsets(%arg6 : memref<80xi32, #tpu.memory_space<vmem>>) semaphore(%arg18 : memref<!tpu.dma_semaphore, #tpu.memory_space<semaphore_mem>>)
      %add3A_258 = arith.constant 3 : i32
      %add3A_259 = arith.addi %mul3A_118, %add3A_258 : i32
      %dma_wait3A_260 = arith.constant 0 : i32
      %dma_wait3A_261 = arith.constant 0 : i32
      %dma_wait3A_262 = tpu.memref_slice %arg2[%dma_wait3A_260, %dma_wait3A_261] : memref<10000x128xf32, #tpu.memory_space<hbm>> -> memref<80x128xf32, #tpu.memory_space<hbm>>
      %dma_wait3A_263 = arith.constant 0 : i32
      %dma_wait3A_264 = arith.constant 0 : i32
      %dma_wait3A_265 = tpu.memref_slice %arg2[%dma_wait3A_263, %dma_wait3A_264] : memref<10000x128xf32, #tpu.memory_space<hbm>> -> memref<80x128xf32, #tpu.memory_space<hbm>>
      tpu.wait_dma2 semaphore(%arg18 : memref<!tpu.dma_semaphore, #tpu.memory_space<semaphore_mem>>) src(%dma_wait3A_265 : memref<80x128xf32, #tpu.memory_space<hbm>>) dst(%arg16 : memref<80x128xf32, #tpu.memory_space<vmem>>)
      %dma_wait3A_266 = arith.constant 0 : i32
      %dma_wait3A_267 = tpu.memref_slice %arg3[%dma_wait3A_266] : memref<640000xi32, #tpu.memory_space<hbm>> -> memref<80xi32, #tpu.memory_space<hbm>>
      %dma_wait3A_268 = arith.constant 0 : i32
      %dma_wait3A_269 = tpu.memref_slice %arg3[%dma_wait3A_268] : memref<640000xi32, #tpu.memory_space<hbm>> -> memref<80xi32, #tpu.memory_space<hbm>>
      tpu.wait_dma2 semaphore(%arg20 : memref<!tpu.dma_semaphore, #tpu.memory_space<semaphore_mem>>) src(%dma_wait3A_269 : memref<80xi32, #tpu.memory_space<hbm>>) dst(%arg12 : memref<80xi32, #tpu.memory_space<vmem>>)
      %dma_wait3A_270 = arith.constant 0 : i32
      %dma_wait3A_271 = arith.constant 0 : i32
      %dma_wait3A_272 = tpu.memref_slice %arg17[%dma_wait3A_270, %dma_wait3A_271] : memref<10240x128xf32, #tpu.memory_space<vmem_shared>> -> memref<80x128xf32, #tpu.memory_space<vmem_shared>>
      %dma_wait3A_273 = arith.constant 0 : i32
      %dma_wait3A_274 = arith.constant 0 : i32
      %dma_wait3A_275 = tpu.memref_slice %arg17[%dma_wait3A_273, %dma_wait3A_274] : memref<10240x128xf32, #tpu.memory_space<vmem_shared>> -> memref<80x128xf32, #tpu.memory_space<vmem_shared>>
      tpu.wait_dma2 semaphore(%arg21 : memref<!tpu.dma_semaphore, #tpu.memory_space<semaphore_mem>>) src(%arg13 : memref<80x128xf32, #tpu.memory_space<vmem>>) dst(%dma_wait3A_275 : memref<80x128xf32, #tpu.memory_space<vmem_shared>>)
      %dma_start3A_276 = arith.constant 0 : i32
      %dma_start3A_277 = arith.constant 0 : i32
      %dma_start3A_278 = tpu.memref_slice %arg17[%dma_start3A_276, %dma_start3A_277] : memref<10240x128xf32, #tpu.memory_space<vmem_shared>> -> memref<10240x128xf32, #tpu.memory_space<vmem_shared>>
      tpu.enqueue_indirect_dma source(%arg16 : memref<80x128xf32, #tpu.memory_space<vmem>>) target(%dma_start3A_278 : memref<10240x128xf32, #tpu.memory_space<vmem_shared>>) offsets(%arg12 : memref<80xi32, #tpu.memory_space<vmem>>) semaphore(%arg21 : memref<!tpu.dma_semaphore, #tpu.memory_space<semaphore_mem>>) {add = true}
      %add3A_279 = arith.constant 4 : i32
      %add3A_280 = arith.addi %add3A_259, %add3A_279 : i32
      %min3A_281 = arith.constant 124 : i32
      %min3A_282 = arith.minsi %add3A_280, %min3A_281 : i32
      %mul3A_283 = arith.constant 80 : i32
      %mul3A_284 = arith.muli %min3A_282, %mul3A_283 : i32
      %add3A_285 = arith.addi %mul3A_2, %mul3A_284 : i32
      %dma_start3A_286 = tpu.memref_slice %arg3[%add3A_285] : memref<640000xi32, #tpu.memory_space<hbm>> -> memref<80xi32, #tpu.memory_space<hbm>>
      %dma_start3A_287 = tpu.memref_slice %arg3[%add3A_285] : memref<640000xi32, #tpu.memory_space<hbm>> -> memref<80xi32, #tpu.memory_space<hbm>>
      tpu.enqueue_dma source(%dma_start3A_287 : memref<80xi32, #tpu.memory_space<hbm>>) target(%arg8 : memref<80xi32, #tpu.memory_space<vmem>>) target_semaphore(%arg19 : memref<!tpu.dma_semaphore, #tpu.memory_space<semaphore_mem>>)
      %add3A_288 = arith.constant 2 : i32
      %add3A_289 = arith.addi %add3A_259, %add3A_288 : i32
      %min3A_290 = arith.constant 124 : i32
      %min3A_291 = arith.minsi %add3A_289, %min3A_290 : i32
      %add3A_292 = arith.constant 320000 : i32
      %add3A_293 = arith.addi %add3A_292, %mul3A_2 : i32
      %mul3A_294 = arith.constant 80 : i32
      %mul3A_295 = arith.muli %min3A_291, %mul3A_294 : i32
      %add3A_296 = arith.addi %add3A_293, %mul3A_295 : i32
      %dma_start3A_297 = tpu.memref_slice %arg3[%add3A_296] : memref<640000xi32, #tpu.memory_space<hbm>> -> memref<80xi32, #tpu.memory_space<hbm>>
      %dma_start3A_298 = tpu.memref_slice %arg3[%add3A_296] : memref<640000xi32, #tpu.memory_space<hbm>> -> memref<80xi32, #tpu.memory_space<hbm>>
      tpu.enqueue_dma source(%dma_start3A_298 : memref<80xi32, #tpu.memory_space<hbm>>) target(%arg10 : memref<80xi32, #tpu.memory_space<vmem>>) target_semaphore(%arg20 : memref<!tpu.dma_semaphore, #tpu.memory_space<semaphore_mem>>)
      %dma_wait3A_299 = arith.constant 0 : i32
      %dma_wait3A_300 = tpu.memref_slice %arg3[%dma_wait3A_299] : memref<640000xi32, #tpu.memory_space<hbm>> -> memref<80xi32, #tpu.memory_space<hbm>>
      %dma_wait3A_301 = arith.constant 0 : i32
      %dma_wait3A_302 = tpu.memref_slice %arg3[%dma_wait3A_301] : memref<640000xi32, #tpu.memory_space<hbm>> -> memref<80xi32, #tpu.memory_space<hbm>>
      tpu.wait_dma2 semaphore(%arg19 : memref<!tpu.dma_semaphore, #tpu.memory_space<semaphore_mem>>) src(%dma_wait3A_302 : memref<80xi32, #tpu.memory_space<hbm>>) dst(%arg7 : memref<80xi32, #tpu.memory_space<vmem>>)
      %dma_start3A_303 = arith.constant 0 : i32
      %dma_start3A_304 = arith.constant 0 : i32
      %dma_start3A_305 = tpu.memref_slice %arg2[%dma_start3A_303, %dma_start3A_304] : memref<10000x128xf32, #tpu.memory_space<hbm>> -> memref<10000x128xf32, #tpu.memory_space<hbm>>
      tpu.enqueue_indirect_dma source(%dma_start3A_305 : memref<10000x128xf32, #tpu.memory_space<hbm>>) target(%arg15 : memref<80x128xf32, #tpu.memory_space<vmem>>) offsets(%arg7 : memref<80xi32, #tpu.memory_space<vmem>>) semaphore(%arg18 : memref<!tpu.dma_semaphore, #tpu.memory_space<semaphore_mem>>)
    }
    %scan3A_75 = arith.constant 31 : i32
    %dma_wait3A = arith.constant 0 : i32
    %dma_wait3A_76 = arith.constant 0 : i32
    %dma_wait3A_77 = tpu.memref_slice %arg2[%dma_wait3A, %dma_wait3A_76] : memref<10000x128xf32, #tpu.memory_space<hbm>> -> memref<80x128xf32, #tpu.memory_space<hbm>>
    %dma_wait3A_78 = arith.constant 0 : i32
    %dma_wait3A_79 = arith.constant 0 : i32
    %dma_wait3A_80 = tpu.memref_slice %arg2[%dma_wait3A_78, %dma_wait3A_79] : memref<10000x128xf32, #tpu.memory_space<hbm>> -> memref<80x128xf32, #tpu.memory_space<hbm>>
    tpu.wait_dma2 semaphore(%arg18 : memref<!tpu.dma_semaphore, #tpu.memory_space<semaphore_mem>>) src(%dma_wait3A_80 : memref<80x128xf32, #tpu.memory_space<hbm>>) dst(%arg13 : memref<80x128xf32, #tpu.memory_space<vmem>>)
    %dma_wait3A_81 = arith.constant 0 : i32
    %dma_wait3A_82 = tpu.memref_slice %arg3[%dma_wait3A_81] : memref<640000xi32, #tpu.memory_space<hbm>> -> memref<80xi32, #tpu.memory_space<hbm>>
    %dma_wait3A_83 = arith.constant 0 : i32
    %dma_wait3A_84 = tpu.memref_slice %arg3[%dma_wait3A_83] : memref<640000xi32, #tpu.memory_space<hbm>> -> memref<80xi32, #tpu.memory_space<hbm>>
    tpu.wait_dma2 semaphore(%arg20 : memref<!tpu.dma_semaphore, #tpu.memory_space<semaphore_mem>>) src(%dma_wait3A_84 : memref<80xi32, #tpu.memory_space<hbm>>) dst(%arg9 : memref<80xi32, #tpu.memory_space<vmem>>)
    %dma_wait3A_85 = arith.constant 0 : i32
    %dma_wait3A_86 = arith.constant 0 : i32
    %dma_wait3A_87 = tpu.memref_slice %arg17[%dma_wait3A_85, %dma_wait3A_86] : memref<10240x128xf32, #tpu.memory_space<vmem_shared>> -> memref<80x128xf32, #tpu.memory_space<vmem_shared>>
    %dma_wait3A_88 = arith.constant 0 : i32
    %dma_wait3A_89 = arith.constant 0 : i32
    %dma_wait3A_90 = tpu.memref_slice %arg17[%dma_wait3A_88, %dma_wait3A_89] : memref<10240x128xf32, #tpu.memory_space<vmem_shared>> -> memref<80x128xf32, #tpu.memory_space<vmem_shared>>
    tpu.wait_dma2 semaphore(%arg21 : memref<!tpu.dma_semaphore, #tpu.memory_space<semaphore_mem>>) src(%arg13 : memref<80x128xf32, #tpu.memory_space<vmem>>) dst(%dma_wait3A_90 : memref<80x128xf32, #tpu.memory_space<vmem_shared>>)
    "tpu.region"() ({
      %run_scoped3A = tpu.sem_alloc : memref<!tpu.dma_semaphore, #tpu.memory_space<semaphore_mem>>
      %dma_start3A_116 = arith.constant 0 : i32
      %dma_start3A_117 = arith.constant 0 : i32
      %dma_start3A_118 = tpu.memref_slice %arg17[%dma_start3A_116, %dma_start3A_117] : memref<10240x128xf32, #tpu.memory_space<vmem_shared>> -> memref<10240x128xf32, #tpu.memory_space<vmem_shared>>
      tpu.enqueue_indirect_dma source(%arg13 : memref<80x128xf32, #tpu.memory_space<vmem>>) target(%dma_start3A_118 : memref<10240x128xf32, #tpu.memory_space<vmem_shared>>) offsets(%arg9 : memref<80xi32, #tpu.memory_space<vmem>>) semaphore(%run_scoped3A : memref<!tpu.dma_semaphore, #tpu.memory_space<semaphore_mem>>) {add = true}
      %dma_wait3A_119 = arith.constant 0 : i32
      %dma_wait3A_120 = arith.constant 0 : i32
      %dma_wait3A_121 = tpu.memref_slice %arg17[%dma_wait3A_119, %dma_wait3A_120] : memref<10240x128xf32, #tpu.memory_space<vmem_shared>> -> memref<10240x128xf32, #tpu.memory_space<vmem_shared>>
      tpu.wait_indirect_dma semaphore(%run_scoped3A : memref<!tpu.dma_semaphore, #tpu.memory_space<semaphore_mem>>) src(%arg13 : memref<80x128xf32, #tpu.memory_space<vmem>>) dst(%dma_wait3A_121 : memref<10240x128xf32, #tpu.memory_space<vmem_shared>>)
      tpu.yield
    }) : () -> ()
    %dma_wait3A_91 = arith.constant 0 : i32
    %dma_wait3A_92 = arith.constant 0 : i32
    %dma_wait3A_93 = tpu.memref_slice %arg2[%dma_wait3A_91, %dma_wait3A_92] : memref<10000x128xf32, #tpu.memory_space<hbm>> -> memref<80x128xf32, #tpu.memory_space<hbm>>
    %dma_wait3A_94 = arith.constant 0 : i32
    %dma_wait3A_95 = arith.constant 0 : i32
    %dma_wait3A_96 = tpu.memref_slice %arg2[%dma_wait3A_94, %dma_wait3A_95] : memref<10000x128xf32, #tpu.memory_space<hbm>> -> memref<80x128xf32, #tpu.memory_space<hbm>>
    tpu.wait_dma2 semaphore(%arg18 : memref<!tpu.dma_semaphore, #tpu.memory_space<semaphore_mem>>) src(%dma_wait3A_96 : memref<80x128xf32, #tpu.memory_space<hbm>>) dst(%arg14 : memref<80x128xf32, #tpu.memory_space<vmem>>)
    %dma_wait3A_97 = arith.constant 0 : i32
    %dma_wait3A_98 = arith.constant 0 : i32
    %dma_wait3A_99 = tpu.memref_slice %arg2[%dma_wait3A_97, %dma_wait3A_98] : memref<10000x128xf32, #tpu.memory_space<hbm>> -> memref<80x128xf32, #tpu.memory_space<hbm>>
    %dma_wait3A_100 = arith.constant 0 : i32
    %dma_wait3A_101 = arith.constant 0 : i32
    %dma_wait3A_102 = tpu.memref_slice %arg2[%dma_wait3A_100, %dma_wait3A_101] : memref<10000x128xf32, #tpu.memory_space<hbm>> -> memref<80x128xf32, #tpu.memory_space<hbm>>
    tpu.wait_dma2 semaphore(%arg18 : memref<!tpu.dma_semaphore, #tpu.memory_space<semaphore_mem>>) src(%dma_wait3A_102 : memref<80x128xf32, #tpu.memory_space<hbm>>) dst(%arg15 : memref<80x128xf32, #tpu.memory_space<vmem>>)
    %dma_wait3A_103 = arith.constant 0 : i32
    %dma_wait3A_104 = tpu.memref_slice %arg3[%dma_wait3A_103] : memref<640000xi32, #tpu.memory_space<hbm>> -> memref<80xi32, #tpu.memory_space<hbm>>
    %dma_wait3A_105 = arith.constant 0 : i32
    %dma_wait3A_106 = tpu.memref_slice %arg3[%dma_wait3A_105] : memref<640000xi32, #tpu.memory_space<hbm>> -> memref<80xi32, #tpu.memory_space<hbm>>
    tpu.wait_dma2 semaphore(%arg19 : memref<!tpu.dma_semaphore, #tpu.memory_space<semaphore_mem>>) src(%dma_wait3A_106 : memref<80xi32, #tpu.memory_space<hbm>>) dst(%arg8 : memref<80xi32, #tpu.memory_space<vmem>>)
    %dma_wait3A_107 = arith.constant 0 : i32
    %dma_wait3A_108 = tpu.memref_slice %arg3[%dma_wait3A_107] : memref<640000xi32, #tpu.memory_space<hbm>> -> memref<80xi32, #tpu.memory_space<hbm>>
    %dma_wait3A_109 = arith.constant 0 : i32
    %dma_wait3A_110 = tpu.memref_slice %arg3[%dma_wait3A_109] : memref<640000xi32, #tpu.memory_space<hbm>> -> memref<80xi32, #tpu.memory_space<hbm>>
    tpu.wait_dma2 semaphore(%arg20 : memref<!tpu.dma_semaphore, #tpu.memory_space<semaphore_mem>>) src(%dma_wait3A_110 : memref<80xi32, #tpu.memory_space<hbm>>) dst(%arg10 : memref<80xi32, #tpu.memory_space<vmem>>)
    %barrier3A_111 = arith.constant 0 : index
    tpu.barrier barrier_id(%barrier3A_111)
    %mul3A_112 = arith.constant 640 : i32
    %mul3A_113 = arith.muli %arg1, %mul3A_112 : i32
    %mul3A_114 = arith.constant 640 : i32
    %mul3A_115 = arith.muli %arg1, %mul3A_114 : i32
    "tpu.region"() ({
      %run_scoped3A = tpu.sem_alloc : memref<!tpu.dma_semaphore, #tpu.memory_space<semaphore_mem>>
      %dma_start3A_116 = arith.constant 0 : i32
      %dma_start3A_117 = tpu.memref_slice %arg4[%arg0, %mul3A_115, %dma_start3A_116] : memref<2x10240x128xf32, #tpu.memory_space<hbm>> -> memref<1x640x128xf32, #tpu.memory_space<hbm>>
      %dma_start3A_118 = tpu.memref_squeeze %dma_start3A_117 : memref<1x640x128xf32, #tpu.memory_space<hbm>> -> memref<640x128xf32, #tpu.memory_space<hbm>>
      %dma_start3A_119 = arith.constant 0 : i32
      %dma_start3A_120 = tpu.memref_slice %arg17[%mul3A_113, %dma_start3A_119] : memref<10240x128xf32, #tpu.memory_space<vmem_shared>> -> memref<640x128xf32, #tpu.memory_space<vmem_shared>>
      tpu.enqueue_dma source(%dma_start3A_120 : memref<640x128xf32, #tpu.memory_space<vmem_shared>>) target(%dma_start3A_118 : memref<640x128xf32, #tpu.memory_space<hbm>>) target_semaphore(%run_scoped3A : memref<!tpu.dma_semaphore, #tpu.memory_space<semaphore_mem>>)
      %dma_wait3A_121 = arith.constant 0 : i32
      %dma_wait3A_122 = tpu.memref_slice %arg4[%arg0, %mul3A_115, %dma_wait3A_121] : memref<2x10240x128xf32, #tpu.memory_space<hbm>> -> memref<1x640x128xf32, #tpu.memory_space<hbm>>
      %dma_wait3A_123 = tpu.memref_squeeze %dma_wait3A_122 : memref<1x640x128xf32, #tpu.memory_space<hbm>> -> memref<640x128xf32, #tpu.memory_space<hbm>>
      %dma_wait3A_124 = arith.constant 0 : i32
      %dma_wait3A_125 = tpu.memref_slice %arg17[%mul3A_113, %dma_wait3A_124] : memref<10240x128xf32, #tpu.memory_space<vmem_shared>> -> memref<640x128xf32, #tpu.memory_space<vmem_shared>>
      tpu.wait_dma2 semaphore(%run_scoped3A : memref<!tpu.dma_semaphore, #tpu.memory_space<semaphore_mem>>) src(%dma_wait3A_125 : memref<640x128xf32, #tpu.memory_space<vmem_shared>>) dst(%dma_wait3A_123 : memref<640x128xf32, #tpu.memory_space<hbm>>)
      tpu.yield
    }) : () -> ()
    return
  }
}

module attributes {stable_mosaic.version = 14 : i64} {
  func.func @_linear_body(%arg0: i32, %arg1: memref<2x10000x128xf32, #tpu.memory_space<vmem>>, %arg2: memref<128x128xf32, #tpu.memory_space<vmem>>, %arg3: memref<1x128xf32, #tpu.memory_space<vmem>>, %arg4: memref<10000x128xf32, #tpu.memory_space<vmem>>) attributes {dimension_semantics = [#tpu.dimension_semantics<arbitrary>], iteration_bounds = array<i64: 1>, scalar_prefetch = 0 : i64, scratch_operands = 0 : i64, tpu.core_type = #tpu.core_type<tc>, window_params = [{transform_indices = @transform_0, window_bounds = array<i64: 2, 10000, 128>}, {pipeline_mode = #tpu.pipeline_mode<synchronous>, transform_indices = @transform_1, window_bounds = array<i64: 128, 128>}, {pipeline_mode = #tpu.pipeline_mode<synchronous>, transform_indices = @transform_2, window_bounds = array<i64: 1, 128>}, {transform_indices = @transform_3, window_bounds = array<i64: 10000, 128>}]} {
    %get3A = arith.constant 0 : index
    %get3A_0 = arith.constant 0 : index
    %get3A_1 = arith.constant 0 : index
    %get3A_2 = vector.load %arg1[%get3A, %get3A_0, %get3A_1] : memref<2x10000x128xf32, #tpu.memory_space<vmem>>, vector<1x10000x128xf32>
    %get3A_3 = vector.shape_cast %get3A_2 : vector<1x10000x128xf32> to vector<10000x128xf32>
    %get3A_4 = arith.constant 1 : index
    %get3A_5 = arith.constant 0 : index
    %get3A_6 = arith.constant 0 : index
    %get3A_7 = vector.load %arg1[%get3A_4, %get3A_5, %get3A_6] : memref<2x10000x128xf32, #tpu.memory_space<vmem>>, vector<1x10000x128xf32>
    %get3A_8 = vector.shape_cast %get3A_7 : vector<1x10000x128xf32> to vector<10000x128xf32>
    %add3A = arith.addf %get3A_3, %get3A_8 : vector<10000x128xf32>
    %get3A_9 = arith.constant 0 : index
    %get3A_10 = arith.constant 0 : index
    %get3A_11 = vector.load %arg2[%get3A_9, %get3A_10] : memref<128x128xf32, #tpu.memory_space<vmem>>, vector<128x128xf32>
    %dot_general3A = arith.constant dense<0.000000e+00> : vector<10000x128xf32>
    %dot_general3A_12 = tpu.matmul %add3A, %get3A_11, %dot_general3A {dimension_numbers = #tpu.dot_dimension_numbers<[1], [1], [0], [0], [0, 0, 1, 0], [], []>, transpose_lhs_hint = false} : vector<10000x128xf32>, vector<128x128xf32>, vector<10000x128xf32> -> vector<10000x128xf32>
    %get3A_13 = arith.constant 0 : index
    %get3A_14 = arith.constant 0 : index
    %get3A_15 = vector.load %arg3[%get3A_13, %get3A_14] : memref<1x128xf32, #tpu.memory_space<vmem>>, vector<1x128xf32>
    %add3A_16 = vector.broadcast %get3A_15 : vector<1x128xf32> to vector<10000x128xf32>
    %add3A_17 = arith.addf %dot_general3A_12, %add3A_16 : vector<10000x128xf32>
    %swap3A = arith.constant 0 : index
    %swap3A_18 = arith.constant 0 : index
    %swap3A_19 = vector.load %arg4[%swap3A, %swap3A_18] : memref<10000x128xf32, #tpu.memory_space<vmem>>, vector<10000x128xf32>
    tpu.vector_store %arg4[%swap3A, %swap3A_18], %add3A_17 {strides = array<i32>} : memref<10000x128xf32, #tpu.memory_space<vmem>>, vector<10000x128xf32>,
    return
  }
  func.func @transform_0(%arg0: i32) -> (i32, i32, i32) {
    %c0_i32 = arith.constant 0 : i32
    %c0_i32_0 = arith.constant 0 : i32
    %c0_i32_1 = arith.constant 0 : i32
    return %c0_i32, %arg0, %c0_i32_0 : i32, i32, i32
  }
  func.func @transform_1(%arg0: i32) -> (i32, i32) {
    %c0_i32 = arith.constant 0 : i32
    %c0_i32_0 = arith.constant 0 : i32
    %c0_i32_1 = arith.constant 0 : i32
    return %c0_i32, %c0_i32_0 : i32, i32
  }
  func.func @transform_2(%arg0: i32) -> (i32, i32) {
    %c0_i32 = arith.constant 0 : i32
    %c0_i32_0 = arith.constant 0 : i32
    %c0_i32_1 = arith.constant 0 : i32
    return %c0_i32, %c0_i32_0 : i32, i32
  }
  func.func @transform_3(%arg0: i32) -> (i32, i32) {
    %c0_i32 = arith.constant 0 : i32
    %c0_i32_0 = arith.constant 0 : i32
    return %arg0, %c0_i32 : i32, i32
  }
}

</mosaic_0001>

<sc_bundles>
// kernel: kernel.4.cloned.1.call-start
scs
__scs_entry_jumppad:
0x0: {  	(pc) =	sbr.rel $0x88, $3  }
0x1: {  	(tag) =	ssettag $0x0;
	lr =	simm.s32 $0x1  }
0x2: {  	[smem:$0x3F9D] =	sst lr;
	_ =	strace $0xD0000000  }
0x3: {  	_ = 	snop  }
0x4: {  	_ = 	snop  }
0x5: {  	_ = 	snop  }
0x6: {  	_ = 	snop  }
0x7: {  	_ = 	snop  }
__scs_overlays_trampoline_lowered:
0x8: {  	[smem:$0x3FAC] =	sst s0  }
0x9: {  	[smem:$0x3FAD] =	sst s1  }
0xa: {  	[smem:$0x3FAE] =	sst s2  }
0xb: {  	[smem:$0x3FAF] =	sst s3  }
0xc: {  	[smem:$0x3FB0] =	sst s4  }
0xd: {  	[smem:$0x3FB1] =	sst s5  }
0xe: {  	[smem:$0x3FB2] =	sst s6  }
0xf: {  	[smem:$0x3FB3] =	sst s7  }
0x10: {  	[smem:$0x3FB4] =	sst s8  }
0x11: {  	[smem:$0x3FB5] =	sst s9;
	s0 =	simm.s32 @!p0 $0x0  }
0x12: {  	s1 =	sld [smem:$0x3F9B];
	s0 =	simm.s32 @p0 $0x1  }
0x13: {  	[smem:$0x3FB6] =	sst s0;
	s0 =	simm.s32 @!p1 $0x0  }
0x14: {  	s2 =	sld [smem:$0x3F9A];
	s0 =	simm.s32 @p1 $0x1  }
0x15: {  	[smem:$0x3FB7] =	sst s0;
	s0 =	simm.s32 @!p2 $0x0  }
0x16: {  	s3 =	sld [smem:$0x3FDB];
	s0 =	simm.s32 @p2 $0x1  }
0x17: {  	s4 =	simm.s32 $0x1BF5;
	[smem:$0x3FB9] =	sst s0  }
0x18: {  	s0 =	sld [smem:$0x3F9C];
	_ =	swait.ge [sflag:s4], $0x0  }
0x19: {  	s7 =	sld [smem:$0x3F9D]  }
0x1a: {  	s8 =	sadd.s32 $0xFFFFE003, lr  }
0x1b: {  	s9 =	sadd.s32 $0xFFFFFEF7, lr;
	s5 =	simm.s32 $0xFFFFFFFF;
	p2 =	slt.u32 s8, $0xFFFFF086  }
0x1c: {  	p1 =	slt.u32 s9, $0xF7A;
	s5 =	simm.s32 @!p2 $0x0  }
0x1d: {  	s5 =	simm.s32 @p1 $0x1;
	p0 =	seq.s32 s7, s2  }
0x1e: {  	s7 =	smul.u32 @!p0 $0xF7A, s2;
	p2 =	seq.s32 @!p0 s5, $0x0  }
0x1f: {  	s9 =	smul.u32 $0xF7A, s1;
	s8 =	simm.s32 @!p0 $0x1BF5;
	p2 =	por !p2, p0  }
0x20: {  	[sflag:s8] =	ssyncset.s32 @!p0 $0xFFFFF086;
	s6 =	sadd.s32 @!p0 s3, s7;
	s7 =	simm.s32 @!p0 $0x108  }
0x21: {  	s3 =	sadd.s32 s3, s9;
	s6 =	sadd.s32 @!p0 $0x88, s6;
	s7 =	simm.s32 @p2 $0x1082  }
0x22: {  	[simem:s7], [sflag:s8] =	dma.local @!p0 [hbm:s6], $0xF7A  }
0x23: {  	s9 =	sor.u32 $0xD0000000, s2;
	s6 =	simm.s32 $0x108;
	_ =	swait.ge @!p0 [sflag:s8], $0x0  }
0x24: {  	s3 =	sadd.s32 $0x88, s3;
	s6 =	simm.s32 @!p1 $0x1082;
	[sflag:s4] =	ssyncset.s32 $0xFFFFF086  }
0x25: {  	[simem:s6], [sflag:s4] =	dma.local [hbm:s3], $0xF7A  }
0x26: {  	[smem:$0x3F9D] =	sst s1;
	(tag) =	ssettag s2;
	_ =	strace s9  }
0x27: {  	s1 =	sld [smem:$0x3FAD]  }
0x28: {  	s2 =	sld [smem:$0x3FAE]  }
0x29: {  	s4 =	sld [smem:$0x3FB0]  }
0x2a: {  	p0 =	seq.s32 s5, $0x0;
	s5 =	sld [smem:$0x3FB1]  }
0x2b: {  	s6 =	sld [smem:$0x3FB2]  }
0x2c: {  	s7 =	sld [smem:$0x3FB3]  }
0x2d: {  	s3 =	simm.s32 $0x108;
	s8 =	sld [smem:$0x3FB4]  }
0x2e: {  	s3 =	simm.s32 @!p0 $0x1082;
	s9 =	sld [smem:$0x3FB5]  }
0x2f: {  	lr =	sadd.s32 s0, s3;
	s0 =	sld [smem:$0x3FAC]  }
0x30: {  	s3 =	sld [smem:$0x3FAF]  }
0x31: {  	[smem:$0x3FB8] =	sst s10  }
0x32: {  	s10 =	sld [smem:$0x3FB6];
	_ =	sdelay $0x3  }
0x33: {  	p0 =	seq.s32 s10, $0x1;
	s10 =	sld [smem:$0x3FB8];
	_ =	sdelay $0x3  }
0x34: {  	[smem:$0x3FB8] =	sst s10  }
0x35: {  	s10 =	sld [smem:$0x3FB7];
	_ =	sdelay $0x3  }
0x36: {  	p1 =	seq.s32 s10, $0x1;
	s10 =	sld [smem:$0x3FB8];
	_ =	sdelay $0x3  }
0x37: {  	[smem:$0x3FB8] =	sst s10  }
0x38: {  	s10 =	sld [smem:$0x3FB9]  }
0x39: {  	_ = 	snop;
	(pc) =	sbr.ind lr, $3  }
0x3a: {  	_ = 	snop  }
0x3b: {  	_ = 	snop  }
0x3c: {  	p2 =	seq.s32 s10, $0x1;
	s10 =	sld [smem:$0x3FB8]  }
0x3d: {  	_ =	shalt  }
0x3e: {  	_ =	shalt  }
0x3f: {  	_ =	shalt  }
0x40: {  	_ =	shalt  }
0x41: {  	_ =	shalt  }
0x42: {  	_ =	shalt  }
0x43: {  	_ =	shalt  }
0x44: {  	_ =	shalt  }
0x45: {  	_ =	shalt  }
0x46: {  	_ =	shalt  }
0x47: {  	_ =	shalt  }
0x48: {  	_ =	shalt  }
0x49: {  	_ =	shalt  }
0x4a: {  	_ =	shalt  }
0x4b: {  	_ =	shalt  }
0x4c: {  	_ =	shalt  }
0x4d: {  	_ =	shalt  }
0x4e: {  	_ =	shalt  }
0x4f: {  	_ =	shalt  }
0x50: {  	_ =	shalt  }
0x51: {  	_ =	shalt  }
0x52: {  	_ =	shalt  }
0x53: {  	_ =	shalt  }
0x54: {  	_ =	shalt  }
0x55: {  	_ =	shalt  }
0x56: {  	_ =	shalt  }
0x57: {  	_ =	shalt  }
0x58: {  	_ =	shalt  }
0x59: {  	_ =	shalt  }
0x5a: {  	_ =	shalt  }
0x5b: {  	_ =	shalt  }
0x5c: {  	_ =	shalt  }
0x5d: {  	_ =	shalt  }
0x5e: {  	_ =	shalt  }
0x5f: {  	_ =	shalt  }
0x60: {  	_ =	shalt  }
0x61: {  	_ =	shalt  }
0x62: {  	_ =	shalt  }
0x63: {  	_ =	shalt  }
0x64: {  	_ =	shalt  }
0x65: {  	_ =	shalt  }
0x66: {  	_ =	shalt  }
0x67: {  	_ =	shalt  }
0x68: {  	_ =	shalt  }
0x69: {  	_ =	shalt  }
0x6a: {  	_ =	shalt  }
0x6b: {  	_ =	shalt  }
0x6c: {  	_ =	shalt  }
0x6d: {  	_ =	shalt  }
0x6e: {  	_ =	shalt  }
0x6f: {  	_ =	shalt  }
0x70: {  	_ =	shalt  }
0x71: {  	_ =	shalt  }
0x72: {  	_ =	shalt  }
0x73: {  	_ =	shalt  }
0x74: {  	_ =	shalt  }
0x75: {  	_ =	shalt  }
0x76: {  	_ =	shalt  }
0x77: {  	_ =	shalt  }
0x78: {  	_ =	shalt  }
0x79: {  	_ =	shalt  }
0x7a: {  	_ =	shalt  }
0x7b: {  	_ =	shalt  }
0x7c: {  	_ =	shalt  }
0x7d: {  	_ =	shalt  }
0x7e: {  	_ =	shalt  }
0x7f: {  	_ =	shalt  }
0x80: {  	_ =	shalt  }
0x81: {  	_ =	shalt  }
0x82: {  	_ =	shalt  }
0x83: {  	_ =	shalt  }
0x84: {  	_ =	shalt  }
0x85: {  	_ =	shalt  }
0x86: {  	_ =	shalt  }
0x87: {  	_ =	shalt  }
.Lfunc_end0:
.L_simem_size_0:
called_computation_lowered:
.L_overlay_start_0:
0x88: {  	s2 =	sld [smem:$0x3FD9]  }
0x89: {  	s3 =	sld [smem:$0x3FFE];
	_ =	sdelay $0x1  }
0x8a: {  	s1 =	srdreg.scid  }
0x8b: {  	s0 =	sand.u32 $0x1, s1  }
0x8c: {  	s17 =	sshll.u32 s0, $0xA;
	s2 =	sadd.s32 s3, s2  }
0x8d: {  	s2 =	sadd.s32 s2, s17  }
0x8e: {  	[smem:$0x3FC4] =	sst s2  }
0x8f: {  	_ = 	snop  }
0x90: {  	s2 =	sld [smem:$0x3FC9]  }
0x91: {  	s18 =	sld [smem:$0x3FD0];
	(tm) =	ssettm $0x1  }
0x92: {  	s4 =	sld [smem:$0x3FFB];
	_ =	sdelay $0x3  }
0x93: {  	_ =	strace s4  }
0x94: {  	s4 =	sld [smem:$0x3FFC];
	_ =	sdelay $0x3  }
0x95: {  	_ =	strace s4  }
0x96: {  	s4 =	sld [smem:$0x3FFD];
	_ =	sdelay $0x3  }
0x97: {  	_ =	strace s4  }
0x98: {  	_ =	strace $0x8FFFFFFF  }
0x99: {  	s19 =	sld [smem:$0x3FDB];
	_ =	sdelay $0x1  }
0x9a: {  	s5 =	simm.s32 $_scs_section_size  }
0x9b: {  	s6 =	simm.s32 $_size__tile_overlayer_lowered;
	s7 =	simm.s32 $_tile_overlayer_lowered  }
0x9c: {  	s22 =	simm.s32 $0x1BFF;
	s21 =	sshll.u32 s7, $0x1;
	s4 =	sadd.s32 s5, s19  }
0x9d: {  	s8 =	simm.s32 $0x0;
	s20 =	sshll.u32 s6, $0x1;
	s6 =	sadd.s32 s21, s4  }
0x9e: {  	[timem:s8], [sflag:s22] =	dma.local [hbm:s6], s20  }
0x9f: {  	_ =	swait.ge [sflag:s22], s20  }
0xa0: {  	s5 =	ssub.s32 $0x0, s20;
	[sflag:s22] =	ssyncset.done $0x0  }
0xa1: {  	[sflag:s22] =	ssyncadd.s32 s5;
	_ =	sdelay $0x1  }
0xa2: {  	s23 =	simm.s32 $0x1B8B  }
0xa3: {  	_ =	swait.ge [sflag:s23], $0x1  }
0xa4: {  	[sflag:s23] =	ssyncset.done $0x0  }
0xa5: {  	s25 =	simm.s32 $0x1B8E;
	s24 =	sld [smem:$0x3FFE];
	[sflag:s23] =	ssyncadd.s32 $0xFFFFFFFF  }
0xa6: {  	s26 =	simm.s32 $execute0_lowered;
	[smem:$0x3FD2] =	sst s25  }
0xa7: {  	s6 =	sshll.u32 s26, $0x1;
	_ =	strace $0x80000046;
	[dreg:$0x1] =	wrdreg $0xFFFFFFFF  }
0xa8: {  	s28 =	simm.s32 $_size_execute0_lowered;
	s4 =	sadd.s32 s4, s6;
	[dreg:$0x0] =	wrdreg $0x0  }
0xa9: {  	s6 =	sshll.u32 s28, $0x1;
	[dreg:$0x2] =	wrdreg s4  }
0xaa: {  	[dreg:$0x3] =	wrdreg s6  }
0xab: {  	[dreg:$0x4] =	wrdreg $0xC0  }
0xac: {  	_ =	task [dreg:s8], $0x5FFFF  }
0xad: {  	[dreg:$0x1] =	wrdreg $0xFFFFFFFF  }
0xae: {  	[dreg:$0x0] =	wrdreg $0x60  }
0xaf: {  	[dreg:$0x2] =	wrdreg s2  }
0xb0: {  	[dreg:$0x3] =	wrdreg s18  }
0xb1: {  	[dreg:$0x4] =	wrdreg s24  }
0xb2: {  	[dreg:$0x5] =	wrdreg $0xA4000  }
0xb3: {  	[dreg:$0x6] =	wrdreg $0x9  }
0xb4: {  	_ =	task.clear_ibuf [dreg:s8], $0x7FFFF;
	_ =	strace $0x90000046  }
0xb5: {  	s29 =	simm.s32 $0x9;
	_ =	strace $0x80000048  }
0xb6: {  	_ =	swait.ge [sflag:s29], $0x1  }
0xb7: {  	[sflag:s29] =	ssyncadd.s32 $0xFFFFFFFF  }
0xb8: {  	_ =	strace $0x90000048  }
0xb9: {  	_ =	sfence  }
0xba: {  	s30 =	sld [smem:$0x0];
	_ =	sdelay $0x2  }
0xbb: {  	s31 =	sshll.u32 s1, $0xD;
	s1 =	sshrl.u32 s1, $0x2  }
0xbc: {  	s3 =	sand.u32 $0x4000, s31;
	s1 =	sadd.s32 s1, s30  }
0xbd: {  	s0 =	sor.u32 s3, s0;
	s1 =	sshll.u32 s1, $0x11  }
0xbe: {  	s0 =	sor.u32 s1, s0  }
0xbf: {  	s0 =	sadd.s32 $0x8F2B, s0  }
0xc0: {  	[sflag:s0] =	ssyncadd.remote.s32 $0x1  }
0xc1: {  	_ =	sfence.sel $0xFFFF  }
0xc2: {  	[dreg:$0x0] =	wrdreg $0xFFFFFFFF;
	(pc) =	sbr.abs _section_cstart, $3  }
0xc3: {  	[dreg:$0x1] =	wrdreg $0xFFFFFFFF  }
0xc4: {  	_ =	task.clear_ibuf [dreg:s8], $0x2FFFF;
	_ =	strace $0x9FFFFFFF  }
0xc5: {  	(tm) =	ssettm $0x7FFFFFFF  }
tec
execute0_lowered:
.L_overlay_start_1:
0x0: {  	(tag) =	ssettag $0x1  }
0x1: {  	s0 =	rddreg [dreg:$0x0]  }
0x2: {  	s3 =	rddreg [dreg:$0x1];
	s11 =	stileid.u32  }
0x3: {  	s1 =	rddreg [dreg:$0x2];
	s8 =	smul.u32 $0x14000, s11  }
0x4: {  	s2 =	srdreg.scid;
	s22 =	smul.u32 $0x50000, s11  }
0x5: {  	s5 =	simm.s32 $0x0;
	s2 =	sand.u32 $0x1, s2;
	s25 =	smul.u32 $0x4E20, s11  }
0x6: {  	s6 =	sshll.u32 s11, $0x1;
	[smem:$0x7FF] =	sst s5;
	s7 =	smul.u32 $0x140000, s2  }
0x7: {  	s6 =	sor.u32 s2, s6;
	s20 =	ssub.s32 $0x2, s2;
	s2 =	smul.u32 $0x2710, s2  }
0x8: {  	s4 =	rddreg [dreg:$0x3];
	_ =	strace $0x80000047;
	s6 =	smul.u32 $0x2710, s6  }
0x9: {  	s7 =	sadd.s32 s8, s7;
	s8 =	sshrl.u32 s22, $0x2;
	s2 =	sadd.s32 s2, s25  }
0xa: {  	s10 =	sshrl.u32 s6, $0x3;
	s14 =	sadd.s32 $0x1E0, s6;
	s16 =	sadd.s32 $0x4E2F0, s2  }
0xb: {  	s17 =	sadd.s32 $0x230, s6;
	s18 =	sadd.s32 $0x4E2A0, s2;
	[dreg:$0x5] =	wrdreg s14  }
0xc: {  	s22 =	sadd.s32 $0x4E340, s2;
	s2 =	sadd.s32 $0x140, s2;
	[dreg:$0x6] =	wrdreg s17  }
0xd: {  	s28 =	simm.s32 $0x400;
	s12 =	sadd.s32 s3, s10;
	[dreg:$0x1a] =	wrdreg s2  }
0xe: {  	s9 =	sshrl.u32 s20, $0x1;
	s21 =	sadd.s32 $0xA, s12;
	[dreg:$0xa] =	wrdreg s12  }
0xf: {  	s7 =	sshrl.u32 s7, $0x3;
	s10 =	sadd.s32 $0x14, s12;
	[dreg:$0xb] =	wrdreg s21  }
0x10: {  	s1 =	sadd.s32 s7, s1;
	s23 =	sadd.s32 $0x1E, s12;
	[dreg:$0xc] =	wrdreg s10  }
0x11: {  	s19 =	sshrl.u32 s18, $0x3;
	s26 =	sadd.s32 $0x9C4A, s12;
	[dreg:$0xd] =	wrdreg s23  }
0x12: {  	s7 =	ssub.s32 s20, s9;
	s20 =	sadd.s32 s19, s3;
	[dreg:$0xf] =	wrdreg s26  }
0x13: {  	s9 =	sadd.s32 $0x4E200, s6;
	s1 =	sadd.s32 $0xA00, s1;
	[dreg:$0x8] =	wrdreg s20  }
0x14: {  	s24 =	sshrl.u32 s9, $0x3;
	s7 =	smax.u32 s7, $0x1;
	[dreg:$0x18] =	wrdreg s1  }
0x15: {  	s29 =	simm.s32 $0x80;
	s10 =	sadd.s32 s3, s24;
	[dreg:$0x19] =	wrdreg s7  }
0x16: {  	s30 =	simm.s32 $0x2C00;
	s21 =	sadd.s32 s8, s4;
	[dreg:$0xe] =	wrdreg s10  }
0x17: {  	s31 =	simm.s32 $0x100;
	s8 =	sadd.s32 $0x2800, s21;
	[dreg:$0x10] =	wrdreg s21  }
0x18: {  	s2 =	simm.s32 $0x180;
	s11 =	sadd.s32 $0x5000, s21;
	[dreg:$0x11] =	wrdreg s8  }
0x19: {  	s17 =	simm.s32 $0x4;
	s12 =	sadd.s32 $0x7800, s21;
	[dreg:$0x12] =	wrdreg s11  }
0x1a: {  	s18 =	simm.s32 $0x380;
	s13 =	sadd.s32 $0xA000, s21;
	[dreg:$0x13] =	wrdreg s12  }
0x1b: {  	s19 =	simm.s32 $0x0;
	s15 =	sadd.s32 $0xC800, s21;
	[dreg:$0x14] =	wrdreg s13  }
0x1c: {  	s24 =	sshrl.u32 s22, $0x3;
	s23 =	sadd.s32 $0xF000, s21;
	[dreg:$0x15] =	wrdreg s15  }
0x1d: {  	s1 =	simm.s32 $0x5400;
	s25 =	sadd.s32 $0x11800, s21;
	[dreg:$0x16] =	wrdreg s23  }
0x1e: {  	s26 =	sadd.s32 s24, s3;
	s10 =	simm.s32 $0x280;
	[dreg:$0x17] =	wrdreg s25  }
0x1f: {  	s8 =	sshrl.u32 s16, $0x3;
	[dreg:$0x9] =	wrdreg s26;
	s25 =	simm.s32 $0x5  }
0x20: {  	s26 =	simm.s32 $0x50;
	s11 =	simm.s32 $0x7C00;
	s12 =	simm.s32 $0x1  }
0x21: {  	s13 =	simm.s32 $0x3;
	s15 =	simm.s32 $0x300;
	s8 =	sadd.s32 s8, s3  }
0x22: {  	v0 =	vimm.f32 $0.0e+00;
	s16 =	simm.s32 $0x2;
	[dreg:$0x7] =	wrdreg s8;
	s8 =	simm.s32 $0x200  }
.LBB2_1:
0x23: {  	s7 =	rddreg [dreg:$0xa]  }
0x24: {  	[tilespmem:s5], [sflag:$0x5] =	stream.linear.gather [hbm4b:s7+s5], $0x50, $0x38;
	[tilespmem:$0x1E400] =	vst v63  }
0x25: {  	_ =	swait.ge [sflag:s25], $0x50  }
0x26: {  	[sflag:s25] =	ssyncset.done $0x0  }
0x27: {  	[sflag:s25] =	ssyncadd.s32 $0xFFFFFFB0  }
0x28: {  	[tilespmem:s28], [sflag:$0x1] =	stream.indirect.gather [hbm4b:s0+s26], $0x80, s5, s26, $0xb8;
	[tilespmem:$0x1E400] =	vst v63  }
0x29: {  	s14 =	rddreg [dreg:$0xb]  }
0x2a: {  	[tilespmem:s29], [sflag:$0x5] =	stream.linear.gather [hbm4b:s14+s5], $0x50, $0x38;
	[tilespmem:$0x1E400] =	vst v63  }
0x2b: {  	_ =	swait.ge [sflag:s25], $0x50  }
0x2c: {  	[sflag:s25] =	ssyncset.done $0x0  }
0x2d: {  	[sflag:s25] =	ssyncadd.s32 $0xFFFFFFB0  }
0x2e: {  	[tilespmem:s30], [sflag:$0x1] =	stream.indirect.gather [hbm4b:s0+s26], $0x80, s29, s26, $0xb8;
	[tilespmem:$0x1E400] =	vst v63  }
0x2f: {  	s20 =	rddreg [dreg:$0xc]  }
0x30: {  	[tilespmem:s31], [sflag:$0x5] =	stream.linear.gather [hbm4b:s20+s5], $0x50, $0x38;
	[tilespmem:$0x1E400] =	vst v63  }
0x31: {  	_ =	swait.ge [sflag:s25], $0x50  }
0x32: {  	[sflag:s25] =	ssyncset.done $0x0  }
0x33: {  	[sflag:s25] =	ssyncadd.s32 $0xFFFFFFB0  }
0x34: {  	[tilespmem:s1], [sflag:$0x1] =	stream.indirect.gather [hbm4b:s0+s26], $0x80, s31, s26, $0xb8;
	[tilespmem:$0x1E400] =	vst v63  }
0x35: {  	s22 =	rddreg [dreg:$0xd]  }
0x36: {  	[tilespmem:s2], [sflag:$0x2] =	stream.linear.gather [hbm4b:s22+s5], $0x50, $0x38;
	[tilespmem:$0x1E400] =	vst v63  }
0x37: {  	s23 =	rddreg [dreg:$0xe]  }
0x38: {  	[tilespmem:s8], [sflag:$0x3] =	stream.linear.gather [hbm4b:s23+s5], $0x50, $0x38;
	[tilespmem:$0x1E400] =	vst v63  }
0x39: {  	s7 =	simm.s32 $0x0;
	s20 =	simm.s32 $0x200;
	s24 =	rddreg [dreg:$0xf]  }
0x3a: {  	[tilespmem:s10], [sflag:$0x3] =	stream.linear.gather [hbm4b:s24+s5], $0x50, $0x38;
	[tilespmem:$0x1E400] =	vst v63  }
.LBB2_2:
0x3b: {  	p0 =	sne.s32 s20, $0x9E00;
	[tilespmem:s7+$0x7C70] =	vst v0  }
0x3c: {  	[tilespmem:s7+$0x7C00] =	vst v0  }
0x3d: {  	[tilespmem:s7+$0x7C10] =	vst v0  }
.Ltmp0:
0x3e: {  	[tilespmem:s7+$0x7C20] =	vst v0;
	(pc) =	sbr.rel @p0 .LBB2_2-.Ltmp0, $4  }
0x3f: {  	[tilespmem:s7+$0x7C30] =	vst v0  }
0x40: {  	[tilespmem:s7+$0x7C40] =	vst v0  }
0x41: {  	[tilespmem:s7+$0x7C50] =	vst v0  }
0x42: {  	[tilespmem:s7+$0x7C60] =	vst v0;
	s7 =	sshra.s32 s20, $0x2;
	s20 =	sadd.s32 $0x200, s20  }
0x43: {  	[tilespmem:s7+$0x7C70] =	vst v0  }
0x44: {  	[tilespmem:s7+$0x7C00] =	vst v0  }
0x45: {  	[tilespmem:s7+$0x7C10] =	vst v0  }
0x46: {  	[tilespmem:s7+$0x7C20] =	vst v0  }
0x47: {  	[tilespmem:s7+$0x7C30] =	vst v0  }
0x48: {  	[tilespmem:s7+$0x7C40] =	vst v0  }
0x49: {  	[tilespmem:s7+$0x7C50] =	vst v0  }
0x4a: {  	[tilespmem:s7+$0x7C60] =	vst v0  }
0x4b: {  	[spmem:s21] =	stream.linear.scatter [tilespmem:s11], [sflag:$0x5], $0x2800, $0x38;
	[tilespmem:$0x1E400] =	vst v63  }
0x4c: {  	_ =	swait.ge [sflag:s25], $0x2800  }
0x4d: {  	[sflag:s25] =	ssyncset.done $0x0  }
0x4e: {  	s21 =	rddreg [dreg:$0x11];
	[sflag:s25] =	ssyncadd.s32 $0xFFFFD800  }
0x4f: {  	[spmem:s21] =	stream.linear.scatter [tilespmem:s11], [sflag:$0x5], $0x2800, $0x38;
	[tilespmem:$0x1E400] =	vst v63  }
0x50: {  	_ =	swait.ge [sflag:s25], $0x2800  }
0x51: {  	[sflag:s25] =	ssyncset.done $0x0  }
0x52: {  	s22 =	rddreg [dreg:$0x12];
	[sflag:s25] =	ssyncadd.s32 $0xFFFFD800  }
0x53: {  	[spmem:s22] =	stream.linear.scatter [tilespmem:s11], [sflag:$0x5], $0x2800, $0x38;
	[tilespmem:$0x1E400] =	vst v63  }
0x54: {  	_ =	swait.ge [sflag:s25], $0x2800  }
0x55: {  	[sflag:s25] =	ssyncset.done $0x0  }
0x56: {  	s23 =	rddreg [dreg:$0x13];
	[sflag:s25] =	ssyncadd.s32 $0xFFFFD800  }
0x57: {  	[spmem:s23] =	stream.linear.scatter [tilespmem:s11], [sflag:$0x5], $0x2800, $0x38;
	[tilespmem:$0x1E400] =	vst v63  }
0x58: {  	_ =	swait.ge [sflag:s25], $0x2800  }
0x59: {  	[sflag:s25] =	ssyncset.done $0x0  }
0x5a: {  	s24 =	rddreg [dreg:$0x14];
	[sflag:s25] =	ssyncadd.s32 $0xFFFFD800  }
0x5b: {  	[spmem:s24] =	stream.linear.scatter [tilespmem:s11], [sflag:$0x5], $0x2800, $0x38;
	[tilespmem:$0x1E400] =	vst v63  }
0x5c: {  	_ =	swait.ge [sflag:s25], $0x2800  }
0x5d: {  	[sflag:s25] =	ssyncset.done $0x0  }
0x5e: {  	s14 =	rddreg [dreg:$0x15];
	[sflag:s25] =	ssyncadd.s32 $0xFFFFD800  }
0x5f: {  	[spmem:s14] =	stream.linear.scatter [tilespmem:s11], [sflag:$0x5], $0x2800, $0x38;
	[tilespmem:$0x1E400] =	vst v63  }
0x60: {  	_ =	swait.ge [sflag:s25], $0x2800  }
0x61: {  	[sflag:s25] =	ssyncset.done $0x0  }
0x62: {  	s20 =	rddreg [dreg:$0x16];
	[sflag:s25] =	ssyncadd.s32 $0xFFFFD800  }
0x63: {  	[spmem:s20] =	stream.linear.scatter [tilespmem:s11], [sflag:$0x5], $0x2800, $0x38;
	[tilespmem:$0x1E400] =	vst v63  }
0x64: {  	_ =	swait.ge [sflag:s25], $0x2800  }
0x65: {  	[sflag:s25] =	ssyncset.done $0x0  }
0x66: {  	s21 =	rddreg [dreg:$0x17];
	[sflag:s25] =	ssyncadd.s32 $0xFFFFD800  }
0x67: {  	[spmem:s21] =	stream.linear.scatter [tilespmem:s11], [sflag:$0x5], $0x2800, $0x38;
	[tilespmem:$0x1E400] =	vst v63  }
0x68: {  	_ =	swait.ge [sflag:s25], $0x2800  }
0x69: {  	[sflag:s25] =	ssyncset.done $0x0  }
0x6a: {  	[sflag:s25] =	ssyncadd.s32 $0xFFFFD800  }
0x6b: {  	[bflag:$0x0] =	sbarrier.arrive $0xFFFF  }
0x6c: {  	_ =	swait.ge [sflag:s12], $0x2800  }
0x6d: {  	[sflag:s12] =	ssyncset.done $0x0  }
0x6e: {  	[sflag:s12] =	ssyncadd.s32 $0xFFFFD800  }
0x6f: {  	_ =	swait.ge [sflag:s13], $0x50  }
0x70: {  	p0 =	por $0x1, $0x1;
	[sflag:s13] =	ssyncset.done $0x0  }
0x71: {  	s7 =	simm.s32 @!p0 $0x4;
	[sflag:s13] =	ssyncadd.s32 $0xFFFFFFB0  }
0x72: {  	_ =	swait.ge @!p0 [sflag:s7], $0x2800  }
0x73: {  	[sflag:s7] =	ssyncset.done @!p0 $0x0;
	s24 =	rddreg [dreg:$0x1a]  }
0x74: {  	s20 =	sshrl.u32 s24, $0x3;
	[sflag:s7] =	ssyncadd.s32 @!p0 $0xFFFFD800  }
0x75: {  	[spmem:s4] =	stream.indirect.scatter.add.f32 [tilespmem:s28], [sflag:$0x4], $0x80, s8, s26, $0xb8;
	[tilespmem:$0x1E400] =	vst v63  }
0x76: {  	s22 =	rddreg [dreg:$0x8];
	s20 =	sadd.s32 s3, s20  }
0x77: {  	[tilespmem:s5], [sflag:$0x2] =	stream.linear.gather [hbm4b:s20+s5], $0x50, $0x38;
	[tilespmem:$0x1E400] =	vst v63  }
0x78: {  	s7 =	sadd.s32 $0x0, s22  }
0x79: {  	[tilespmem:s15], [sflag:$0x3] =	stream.linear.gather [hbm4b:s7+s5], $0x50, $0x38;
	[tilespmem:$0x1E400] =	vst v63  }
0x7a: {  	_ =	swait.ge [sflag:s16], $0x50  }
0x7b: {  	[sflag:s16] =	ssyncset.done $0x0  }
0x7c: {  	[sflag:s16] =	ssyncadd.s32 $0xFFFFFFB0  }
0x7d: {  	[tilespmem:s11], [sflag:$0x1] =	stream.indirect.gather [hbm4b:s0+s26], $0x80, s2, s26, $0xb8;
	[tilespmem:$0x1E400] =	vst v63  }
0x7e: {  	_ =	swait.ge [sflag:s12], $0x2800  }
0x7f: {  	[sflag:s12] =	ssyncset.done $0x0  }
0x80: {  	s20 =	simm.s32 $0x0;
	[sflag:s12] =	ssyncadd.s32 $0xFFFFD800  }
0x81: {  	s23 =	smin.u32 s20, $0x77;
	_ =	swait.ge [sflag:s13], $0x50  }
0x82: {  	s7 =	smul.u32 $0x50, s23;
	[sflag:s13] =	ssyncset.done $0x0  }
0x83: {  	[sflag:s13] =	ssyncadd.s32 $0xFFFFFFB0  }
0x84: {  	s7 =	sadd.s32 $0x190, s7;
	_ =	swait.ge [sflag:s17], $0x2800  }
0x85: {  	s14 =	sadd.s32 s6, s7;
	[sflag:s17] =	ssyncset.done $0x0  }
0x86: {  	s21 =	sshrl.u32 s14, $0x3;
	[sflag:s17] =	ssyncadd.s32 $0xFFFFD800  }
0x87: {  	[spmem:s4] =	stream.indirect.scatter.add.f32 [tilespmem:s30], [sflag:$0x4], $0x80, s10, s26, $0xb8;
	[tilespmem:$0x1E400] =	vst v63  }
0x88: {  	s21 =	sadd.s32 s3, s21;
	s23 =	rddreg [dreg:$0x7]  }
0x89: {  	[tilespmem:s29], [sflag:$0x2] =	stream.linear.gather [hbm4b:s21+s5], $0x50, $0x38;
	[tilespmem:$0x1E400] =	vst v63  }
0x8a: {  	s22 =	sadd.s32 $0x0, s23  }
0x8b: {  	[tilespmem:s18], [sflag:$0x3] =	stream.linear.gather [hbm4b:s22+s5], $0x50, $0x38;
	[tilespmem:$0x1E400] =	vst v63  }
0x8c: {  	_ =	swait.ge [sflag:s16], $0x50  }
0x8d: {  	[sflag:s16] =	ssyncset.done $0x0  }
0x8e: {  	[sflag:s16] =	ssyncadd.s32 $0xFFFFFFB0  }
0x8f: {  	[tilespmem:s28], [sflag:$0x1] =	stream.indirect.gather [hbm4b:s0+s26], $0x80, s5, s26, $0xb8;
	[tilespmem:$0x1E400] =	vst v63  }
0x90: {  	_ =	swait.ge [sflag:s12], $0x2800  }
0x91: {  	[sflag:s12] =	ssyncset.done $0x0  }
0x92: {  	[sflag:s12] =	ssyncadd.s32 $0xFFFFD800  }
0x93: {  	_ =	swait.ge [sflag:s13], $0x50  }
0x94: {  	[sflag:s13] =	ssyncset.done $0x0  }
0x95: {  	s23 =	smin.u32 s20, $0x76;
	[sflag:s13] =	ssyncadd.s32 $0xFFFFFFB0  }
0x96: {  	s21 =	smul.u32 $0x50, s23;
	_ =	swait.ge [sflag:s17], $0x2800  }
0x97: {  	[sflag:s17] =	ssyncset.done $0x0;
	s14 =	rddreg [dreg:$0x5]  }
0x98: {  	[sflag:s17] =	ssyncadd.s32 $0xFFFFD800;
	s21 =	sadd.s32 s21, s14  }
0x99: {  	[spmem:s4] =	stream.indirect.scatter.add.f32 [tilespmem:s1], [sflag:$0x4], $0x80, s15, s26, $0xb8;
	[tilespmem:$0x1E400] =	vst v63  }
0x9a: {  	s21 =	sshrl.u32 s21, $0x3  }
0x9b: {  	s22 =	rddreg [dreg:$0x9];
	s21 =	sadd.s32 s3, s21  }
0x9c: {  	[tilespmem:s31], [sflag:$0x2] =	stream.linear.gather [hbm4b:s21+s5], $0x50, $0x38;
	[tilespmem:$0x1E400] =	vst v63  }
0x9d: {  	s23 =	sadd.s32 $0x0, s22  }
0x9e: {  	[tilespmem:s8], [sflag:$0x3] =	stream.linear.gather [hbm4b:s23+s5], $0x50, $0x38;
	[tilespmem:$0x1E400] =	vst v63  }
0x9f: {  	_ =	swait.ge [sflag:s16], $0x50  }
0xa0: {  	[sflag:s16] =	ssyncset.done $0x0  }
0xa1: {  	[sflag:s16] =	ssyncadd.s32 $0xFFFFFFB0  }
0xa2: {  	[tilespmem:s30], [sflag:$0x1] =	stream.indirect.gather [hbm4b:s0+s26], $0x80, s29, s26, $0xb8;
	[tilespmem:$0x1E400] =	vst v63  }
0xa3: {  	_ =	swait.ge [sflag:s12], $0x2800  }
0xa4: {  	[sflag:s12] =	ssyncset.done $0x0  }
0xa5: {  	[sflag:s12] =	ssyncadd.s32 $0xFFFFD800  }
0xa6: {  	_ =	swait.ge [sflag:s13], $0x50  }
0xa7: {  	[sflag:s13] =	ssyncset.done $0x0  }
0xa8: {  	s14 =	smin.u32 s20, $0x75;
	[sflag:s13] =	ssyncadd.s32 $0xFFFFFFB0  }
0xa9: {  	s21 =	smul.u32 $0x50, s14;
	_ =	swait.ge [sflag:s17], $0x2800  }
0xaa: {  	[sflag:s17] =	ssyncset.done $0x0;
	s22 =	rddreg [dreg:$0x6]  }
0xab: {  	[sflag:s17] =	ssyncadd.s32 $0xFFFFD800;
	s21 =	sadd.s32 s21, s22  }
0xac: {  	[spmem:s4] =	stream.indirect.scatter.add.f32 [tilespmem:s11], [sflag:$0x4], $0x80, s18, s26, $0xb8;
	[tilespmem:$0x1E400] =	vst v63  }
0xad: {  	s7 =	sadd.s32 s9, s7;
	s21 =	sshrl.u32 s21, $0x3  }
0xae: {  	s7 =	sshrl.u32 s7, $0x3;
	s21 =	sadd.s32 s3, s21  }
0xaf: {  	[tilespmem:s2], [sflag:$0x2] =	stream.linear.gather [hbm4b:s21+s5], $0x50, $0x38;
	[tilespmem:$0x1E400] =	vst v63  }
0xb0: {  	s7 =	sadd.s32 s3, s7;
	s21 =	simm.s32 $0x28  }
.LBB2_4:
0xb1: {  	[tilespmem:s10], [sflag:$0x3] =	stream.linear.gather [hbm4b:s7+s5], $0x50, $0x38;
	[tilespmem:$0x1E400] =	vst v63  }
0xb2: {  	_ =	swait.ge [sflag:s16], $0x50  }
0xb3: {  	[sflag:s16] =	ssyncset.done $0x0  }
0xb4: {  	[sflag:s16] =	ssyncadd.s32 $0xFFFFFFB0  }
0xb5: {  	[tilespmem:s1], [sflag:$0x1] =	stream.indirect.gather [hbm4b:s0+s26], $0x80, s31, s26, $0xb8;
	[tilespmem:$0x1E400] =	vst v63  }
0xb6: {  	_ =	swait.ge [sflag:s12], $0x2800  }
0xb7: {  	[sflag:s12] =	ssyncset.done $0x0  }
0xb8: {  	[sflag:s12] =	ssyncadd.s32 $0xFFFFD800  }
0xb9: {  	s23 =	smov.u32 s21;
	_ =	swait.ge [sflag:s13], $0x50  }
0xba: {  	p1 =	seq.s32 s23, $0x0;
	[sflag:s13] =	ssyncset.done $0x0  }
0xbb: {  	s7 =	simm.s32 @!p1 $0x4;
	[sflag:s13] =	ssyncadd.s32 $0xFFFFFFB0  }
0xbc: {  	_ =	swait.ge @!p1 [sflag:s7], $0x2800  }
0xbd: {  	s24 =	sadd.s32 $0x140, s24;
	[sflag:s7] =	ssyncset.done @!p1 $0x0  }
0xbe: {  	s22 =	sshrl.u32 s24, $0x3;
	[sflag:s7] =	ssyncadd.s32 @!p1 $0xFFFFD800  }
0xbf: {  	[spmem:s4] =	stream.indirect.scatter.add.f32 [tilespmem:s28], [sflag:$0x4], $0x80, s8, s26, $0xb8;
	[tilespmem:$0x1E400] =	vst v63  }
0xc0: {  	s22 =	sadd.s32 s3, s22;
	s14 =	rddreg [dreg:$0x8]  }
0xc1: {  	[tilespmem:s5], [sflag:$0x2] =	stream.linear.gather [hbm4b:s22+s5], $0x50, $0x38;
	[tilespmem:$0x1E400] =	vst v63  }
0xc2: {  	s7 =	sadd.s32 s23, s14  }
0xc3: {  	[tilespmem:s15], [sflag:$0x3] =	stream.linear.gather [hbm4b:s7+s5], $0x50, $0x38;
	[tilespmem:$0x1E400] =	vst v63  }
0xc4: {  	_ =	swait.ge [sflag:s16], $0x50  }
0xc5: {  	[sflag:s16] =	ssyncset.done $0x0  }
0xc6: {  	[sflag:s16] =	ssyncadd.s32 $0xFFFFFFB0  }
0xc7: {  	[tilespmem:s11], [sflag:$0x1] =	stream.indirect.gather [hbm4b:s0+s26], $0x80, s2, s26, $0xb8;
	[tilespmem:$0x1E400] =	vst v63  }
0xc8: {  	_ =	swait.ge [sflag:s12], $0x2800  }
0xc9: {  	[sflag:s12] =	ssyncset.done $0x0  }
0xca: {  	s20 =	sadd.s32 $0x4, s20;
	[sflag:s12] =	ssyncadd.s32 $0xFFFFD800  }
0xcb: {  	s22 =	smin.u32 s20, $0x77;
	_ =	swait.ge [sflag:s13], $0x50  }
0xcc: {  	s7 =	smul.u32 $0x50, s22;
	[sflag:s13] =	ssyncset.done $0x0  }
0xcd: {  	[sflag:s13] =	ssyncadd.s32 $0xFFFFFFB0  }
0xce: {  	s7 =	sadd.s32 $0x190, s7;
	_ =	swait.ge [sflag:s17], $0x2800  }
0xcf: {  	s14 =	sadd.s32 s6, s7;
	[sflag:s17] =	ssyncset.done $0x0  }
0xd0: {  	s22 =	sshrl.u32 s14, $0x3;
	[sflag:s17] =	ssyncadd.s32 $0xFFFFD800  }
0xd1: {  	[spmem:s4] =	stream.indirect.scatter.add.f32 [tilespmem:s30], [sflag:$0x4], $0x80, s10, s26, $0xb8;
	[tilespmem:$0x1E400] =	vst v63  }
0xd2: {  	s22 =	sadd.s32 s3, s22;
	s14 =	rddreg [dreg:$0x7]  }
0xd3: {  	[tilespmem:s29], [sflag:$0x2] =	stream.linear.gather [hbm4b:s22+s5], $0x50, $0x38;
	[tilespmem:$0x1E400] =	vst v63  }
0xd4: {  	s14 =	sadd.s32 s23, s14  }
0xd5: {  	[tilespmem:s18], [sflag:$0x3] =	stream.linear.gather [hbm4b:s14+s5], $0x50, $0x38;
	[tilespmem:$0x1E400] =	vst v63  }
0xd6: {  	_ =	swait.ge [sflag:s16], $0x50  }
0xd7: {  	[sflag:s16] =	ssyncset.done $0x0  }
0xd8: {  	[sflag:s16] =	ssyncadd.s32 $0xFFFFFFB0  }
0xd9: {  	[tilespmem:s28], [sflag:$0x1] =	stream.indirect.gather [hbm4b:s0+s26], $0x80, s5, s26, $0xb8;
	[tilespmem:$0x1E400] =	vst v63  }
0xda: {  	_ =	swait.ge [sflag:s12], $0x2800  }
0xdb: {  	[sflag:s12] =	ssyncset.done $0x0  }
0xdc: {  	[sflag:s12] =	ssyncadd.s32 $0xFFFFD800  }
0xdd: {  	_ =	swait.ge [sflag:s13], $0x50  }
0xde: {  	[sflag:s13] =	ssyncset.done $0x0  }
0xdf: {  	s14 =	smin.u32 s20, $0x76;
	[sflag:s13] =	ssyncadd.s32 $0xFFFFFFB0  }
0xe0: {  	s14 =	smul.u32 $0x50, s14;
	_ =	swait.ge [sflag:s17], $0x2800  }
0xe1: {  	[sflag:s17] =	ssyncset.done $0x0;
	s22 =	rddreg [dreg:$0x5]  }
0xe2: {  	[sflag:s17] =	ssyncadd.s32 $0xFFFFD800;
	s14 =	sadd.s32 s14, s22  }
0xe3: {  	[spmem:s4] =	stream.indirect.scatter.add.f32 [tilespmem:s1], [sflag:$0x4], $0x80, s15, s26, $0xb8;
	[tilespmem:$0x1E400] =	vst v63  }
0xe4: {  	s14 =	sshrl.u32 s14, $0x3  }
0xe5: {  	s22 =	rddreg [dreg:$0x9];
	s14 =	sadd.s32 s3, s14  }
0xe6: {  	[tilespmem:s31], [sflag:$0x2] =	stream.linear.gather [hbm4b:s14+s5], $0x50, $0x38;
	[tilespmem:$0x1E400] =	vst v63  }
0xe7: {  	s23 =	sadd.s32 s23, s22  }
0xe8: {  	[tilespmem:s8], [sflag:$0x3] =	stream.linear.gather [hbm4b:s23+s5], $0x50, $0x38;
	[tilespmem:$0x1E400] =	vst v63  }
0xe9: {  	_ =	swait.ge [sflag:s16], $0x50  }
0xea: {  	[sflag:s16] =	ssyncset.done $0x0  }
0xeb: {  	[sflag:s16] =	ssyncadd.s32 $0xFFFFFFB0  }
0xec: {  	[tilespmem:s30], [sflag:$0x1] =	stream.indirect.gather [hbm4b:s0+s26], $0x80, s29, s26, $0xb8;
	[tilespmem:$0x1E400] =	vst v63  }
0xed: {  	_ =	swait.ge [sflag:s12], $0x2800  }
0xee: {  	[sflag:s12] =	ssyncset.done $0x0  }
0xef: {  	[sflag:s12] =	ssyncadd.s32 $0xFFFFD800  }
0xf0: {  	_ =	swait.ge [sflag:s13], $0x50  }
0xf1: {  	[sflag:s13] =	ssyncset.done $0x0  }
0xf2: {  	s21 =	sadd.s32 $0x28, s21;
	s22 =	smin.u32 s20, $0x75;
	[sflag:s13] =	ssyncadd.s32 $0xFFFFFFB0  }
0xf3: {  	p0 =	sne.s32 s21, $0x4D8;
	s14 =	smul.u32 $0x50, s22;
	_ =	swait.ge [sflag:s17], $0x2800  }
0xf4: {  	s7 =	sadd.s32 s9, s7;
	[sflag:s17] =	ssyncset.done $0x0;
	s23 =	rddreg [dreg:$0x6]  }
.Ltmp1:
0xf5: {  	[sflag:s17] =	ssyncadd.s32 $0xFFFFD800;
	s14 =	sadd.s32 s14, s23;
	(pc) =	sbr.rel @p0 .LBB2_4-.Ltmp1, $4  }
0xf6: {  	[spmem:s4] =	stream.indirect.scatter.add.f32 [tilespmem:s11], [sflag:$0x4], $0x80, s18, s26, $0xb8;
	[tilespmem:$0x1E400] =	vst v63  }
0xf7: {  	s7 =	sshrl.u32 s7, $0x3;
	s14 =	sshrl.u32 s14, $0x3  }
0xf8: {  	s7 =	sadd.s32 s3, s7;
	s14 =	sadd.s32 s3, s14  }
0xf9: {  	[tilespmem:s2], [sflag:$0x2] =	stream.linear.gather [hbm4b:s14+s5], $0x50, $0x38;
	[tilespmem:$0x1E400] =	vst v63  }
0xfa: {  	[tilespmem:s10], [sflag:$0x3] =	stream.linear.gather [hbm4b:s7+s5], $0x50, $0x38;
	[tilespmem:$0x1E400] =	vst v63  }
0xfb: {  	_ =	swait.ge [sflag:s16], $0x50  }
0xfc: {  	[sflag:s16] =	ssyncset.done $0x0  }
0xfd: {  	[sflag:s16] =	ssyncadd.s32 $0xFFFFFFB0  }
0xfe: {  	[tilespmem:s1], [sflag:$0x1] =	stream.indirect.gather [hbm4b:s0+s26], $0x80, s31, s26, $0xb8;
	[tilespmem:$0x1E400] =	vst v63  }
0xff: {  	_ =	swait.ge [sflag:s12], $0x2800  }
0x100: {  	[sflag:s12] =	ssyncset.done $0x0  }
0x101: {  	[sflag:s12] =	ssyncadd.s32 $0xFFFFD800  }
0x102: {  	_ =	swait.ge [sflag:s13], $0x50  }
0x103: {  	[sflag:s13] =	ssyncset.done $0x0  }
0x104: {  	[sflag:s13] =	ssyncadd.s32 $0xFFFFFFB0  }
0x105: {  	_ =	swait.ge [sflag:s17], $0x2800  }
0x106: {  	[sflag:s17] =	ssyncset.done $0x0  }
0x107: {  	[sflag:s17] =	ssyncadd.s32 $0xFFFFD800  }
0x108: {  	[spmem:s4] =	stream.indirect.scatter.add.f32 [tilespmem:s28], [sflag:$0x5], $0x80, s8, s26, $0xb8;
	[tilespmem:$0x1E400] =	vst v63  }
0x109: {  	_ =	swait.ge [sflag:s25], $0x2800  }
0x10a: {  	[sflag:s25] =	ssyncset.done $0x0  }
0x10b: {  	[sflag:s25] =	ssyncadd.s32 $0xFFFFD800  }
0x10c: {  	_ =	swait.ge [sflag:s12], $0x2800  }
0x10d: {  	[sflag:s12] =	ssyncset.done $0x0  }
0x10e: {  	[sflag:s12] =	ssyncadd.s32 $0xFFFFD800  }
0x10f: {  	_ =	swait.ge [sflag:s12], $0x2800  }
0x110: {  	[sflag:s12] =	ssyncset.done $0x0  }
0x111: {  	[sflag:s12] =	ssyncadd.s32 $0xFFFFD800  }
0x112: {  	_ =	swait.ge [sflag:s16], $0x50  }
0x113: {  	[sflag:s16] =	ssyncset.done $0x0  }
0x114: {  	[sflag:s16] =	ssyncadd.s32 $0xFFFFFFB0  }
0x115: {  	_ =	swait.ge [sflag:s13], $0x50  }
0x116: {  	[sflag:s13] =	ssyncset.done $0x0  }
0x117: {  	[sflag:s13] =	ssyncadd.s32 $0xFFFFFFB0  }
0x118: {  	s23 =	stileid.u32;
	[bflag:$0x0] =	sbarrier.arrive $0xFFFF  }
0x119: {  	s7 =	sshll.u32 s23, $0x6;
	s21 =	rddreg [dreg:$0x10]  }
0x11a: {  	s7 =	sor.u32 $0x1C05, s7;
	s20 =	rddreg [dreg:$0x18];
	s14 =	sshrl.u32 s21, $0x3  }
0x11b: {  	[hbm:s20], [sflag:s7] =	dma.local [spmem:s14], $0x2800  }
0x11c: {  	_ =	swait.ge [sflag:s25], $0x2800  }
0x11d: {  	s19 =	sadd.s32 $0x1, s19;
	s24 =	rddreg [dreg:$0x19]  }
0x11e: {  	p0 =	sne.s32 s19, s24  }
.Ltmp2:
0x11f: {  	_ = 	snop;
	(pc) =	sbr.rel @p0 .LBB2_1-.Ltmp2, $3  }
0x120: {  	_ =	sdelay $0x1  }
0x121: {  	[sflag:s25] =	ssyncset.done $0x0  }
0x122: {  	[sflag:s25] =	ssyncadd.s32 $0xFFFFD800  }
0x123: {  	_ =	sfence.sel $0x180000  }
0x124: {  	[bflag:$0x0] =	sbarrier.arrive $0xFFFF  }
0x125: {  	_ =	strace $0x90000047  }
0x126: {  	s0 =	stileid.u32;
	[bflag:$0x2] =	sbarrier.arrive $0xFFFF  }
0x127: {  	p0 =	sne.s32 s0, $0x0;
	s0 =	rddreg [dreg:$0x4]  }
0x128: {  	s0 =	sadd.s32 @!p0 $0x100000, s0  }
0x129: {  	[sflag:s0] =	ssyncadd.tile.s32 @!p0 $0x1;
	_ =	shalt  }
.Lfunc_end2:
_tile_overlayer_lowered:
.L_overlay_start_2:
0x12a: {  	(tag) =	ssettag $0x2  }
0x12b: {  	s0 =	rddreg [dreg:$0x0];
	s2 =	stileid.u32  }
0x12c: {  	s1 =	rddreg [dreg:$0x1];
	p0 =	sne.s32 s2, $0x0  }
0x12d: {  	s3 =	rddreg [dreg:$0x2];
	[bflag:$0x3] =	sbarrier.arrive $0xFFFF;
	s2 =	simm.s32 @!p0 $0x1C05  }
0x12e: {  	[timem:s3], [sflag:s2] =	dma.local @!p0 [hbm:s0], s1  }
0x12f: {  	s0 =	simm.s32 @!p0 $0x5  }
0x130: {  	_ =	swait.ge @!p0 [sflag:s0], s1  }
0x131: {  	s1 =	ssub.s32 @!p0 $0x0, s1;
	[sflag:s0] =	ssyncset.done @!p0 $0x0  }
0x132: {  	[sflag:s0] =	ssyncadd.s32 @!p0 s1  }
0x133: {  	[bflag:$0x3] =	sbarrier.arrive $0xFFFF  }
0x134: {  	_ =	shalt  }

</sc_bundles>
